<compile_context>
chip_gen: v7x
topology: tpu7x:2x2x1
jax: 0.10.2.dev20260603
libtpu: 0.0.44.dev20260713+nightly
codegen_flags: <defaults>
</compile_context>

<pallas_src>
import jax
import jax.numpy as jnp
from jax import lax
from jax.experimental import pallas as pl
from jax.experimental.pallas import tpu as pltpu
from jax.experimental.pallas import tpu_sc as plsc

_NC = 2
_NS = 16
_NW = _NC * _NS
_NBUF = 3
_CROWS = 512


def _quant_body(cur_ref, q_ref):
    q_ref[...] = cur_ref[...].astype(jnp.float8_e4m3fn).astype(jnp.float32)


def _sc_body(prev_hbm, curp_hbm, idx_hbm, out_hbm,
             bufs, row_v, idx_v, rs0, rs1, rs2, ws0, ws1, ws2, ssem):
    w = lax.axis_index("s") * _NC + lax.axis_index("c")
    rows_per_w = out_hbm.shape[0] // _NW
    nch = rows_per_w // _CROWS
    base = w * rows_per_w
    rsems = (rs0, rs1, rs2)
    wsems = (ws0, ws1, ws2)

    pltpu.sync_copy(idx_hbm.at[w], idx_v)
    pltpu.sync_copy(curp_hbm.at[w], row_v)

    def rd(i, b):
        r0 = base + i * _CROWS
        return pltpu.async_copy(
            prev_hbm.at[pl.ds(r0, _CROWS)], bufs.at[b], rsems[b])

    def wr(i, b):
        r0 = base + i * _CROWS
        return pltpu.async_copy(
            bufs.at[b], out_hbm.at[pl.ds(r0, _CROWS)], wsems[b])

    for i in range(nch):
        r0 = base + i * _CROWS
        pltpu.sync_copy(prev_hbm.at[pl.ds(r0, _CROWS)], bufs.at[0])
        pltpu.sync_copy(bufs.at[0], out_hbm.at[pl.ds(r0, _CROWS)])

    sc = pltpu.async_copy(row_v, out_hbm.at[idx_v], ssem)
    sc.start()
    sc.wait()


def kernel(prev, cur, dim, idx):
    B, H, S, D = prev.shape
    BH = B * H
    R = BH * S
    per = BH // _NW
    prev2 = prev.reshape(R, D)
    pos = (idx[0] - dim + 1).astype(jnp.int32)
    rowidx = jnp.arange(BH, dtype=jnp.int32) * S + pos
    idx2 = rowidx.reshape(_NW, per)
    idx2 = jnp.concatenate([idx2, idx2], axis=1)
    curp = cur.reshape(_NW, per, D)
    curp = jnp.concatenate([curp, curp], axis=1)

    qcurp = pl.pallas_call(
        _quant_body,
        out_shape=jax.ShapeDtypeStruct(curp.shape, jnp.float32),
    )(curp)

    mesh = plsc.VectorSubcoreMesh(
        core_axis_name="c", subcore_axis_name="s",
        num_cores=_NC, num_subcores=_NS)
    sc_call = pl.kernel(
        _sc_body,
        out_type=jax.ShapeDtypeStruct((R, D), jnp.float32),
        mesh=mesh,
        scratch_types=[
            pltpu.VMEM((1, _CROWS, D), jnp.float32),
            pltpu.VMEM((2 * per, D), jnp.float32),
            pltpu.VMEM((2 * per,), jnp.int32),
            pltpu.SemaphoreType.DMA,
            pltpu.SemaphoreType.DMA,
            pltpu.SemaphoreType.DMA,
            pltpu.SemaphoreType.DMA,
            pltpu.SemaphoreType.DMA,
            pltpu.SemaphoreType.DMA,
            pltpu.SemaphoreType.DMA,
        ],
    )
    out = sc_call(prev2, qcurp, idx2)
    return out.reshape(B, H, S, D)

# --- scband reference (transcript-rebuilt; emitter-appended) ---
"""Pipeline reference for scband-cache-update-fp8-32315333935798 (READ-ONLY COPY).

The authoritative reference and input builder live on the scoring server;
editing this copy changes nothing except your own understanding.
"""

import jax, jax.numpy as jnp
import numpy as np


def setup_inputs(seed: int = 0) -> dict:
    key = jax.random.key(seed)
    k1, k2 = jax.random.split(key)
    prev = jax.random.normal(k1, (8, 16, 2048, 128), dtype=jnp.float32)
    # prev represents the fp8 kv-cache; simulate by snapping to fp8 grid, stored as f32
    prev = prev.astype(jnp.float8_e4m3fn).astype(jnp.float32)
    cur = jax.random.normal(k2, (8, 16, 1, 128), dtype=jnp.float32)
    dim = 2
    idx = jnp.array([1], dtype=jnp.int32)
    return {"prev": prev, "cur": cur, "dim": dim, "idx": idx}


def reference(prev, cur, dim, idx):
    # cast_to_fp8_v2: quantize cur to fp8 (e4m3), amax unused downstream
    cur_fp8 = cur.astype(jnp.float8_e4m3fn)
    # same-batch branch: cur seq-len must be 1; fp8_index_copy_ into prev at idx-1 along dim
    assert cur_fp8.shape[2] == 1
    pos = idx[0] - dim + 1
    # prev is the fp8 cache (simulated in f32); write quantized row, then cast_from_fp8 back
    updated = prev.at[:, :, pos, :].set(cur_fp8.astype(prev.dtype)[:, :, 0, :])
    prev_bf16 = updated.astype(cur.dtype)
    return prev_bf16

if __name__ == "__main__":
    import jax
    _d = setup_inputs()
    print(jax.jit(kernel)(*tuple(_d.values())))

</pallas_src>

<mosaic_0001>
#map = affine_map<(d0, d1) -> (0, 0)>
#map1 = affine_map<(d0, d1) -> (0, 0, 0)>
module attributes {stable_mosaic.version = 14 : i64} {
  func.func @_sc_body(%arg0: i32, %arg1: i32, %arg2: memref<262144x128xf32, #tpu.memory_space<hbm>>, %arg3: memref<32x8x128xf32, #tpu.memory_space<hbm>>, %arg4: memref<32x8xi32, #tpu.memory_space<hbm>>, %arg5: memref<262144x128xf32, #tpu.memory_space<hbm>>, %arg6: memref<1x512x128xf32, #tpu.memory_space<vmem>>, %arg7: memref<8x128xf32, #tpu.memory_space<vmem>>, %arg8: memref<8xi32, #tpu.memory_space<vmem>>, %arg9: memref<!tpu.dma_semaphore, #tpu.memory_space<semaphore_mem>>, %arg10: memref<!tpu.dma_semaphore, #tpu.memory_space<semaphore_mem>>, %arg11: memref<!tpu.dma_semaphore, #tpu.memory_space<semaphore_mem>>, %arg12: memref<!tpu.dma_semaphore, #tpu.memory_space<semaphore_mem>>, %arg13: memref<!tpu.dma_semaphore, #tpu.memory_space<semaphore_mem>>, %arg14: memref<!tpu.dma_semaphore, #tpu.memory_space<semaphore_mem>>, %arg15: memref<!tpu.dma_semaphore, #tpu.memory_space<semaphore_mem>>) attributes {dimension_semantics = [#tpu.dimension_semantics<core_parallel>, #tpu.dimension_semantics<subcore_parallel>], iteration_bounds = array<i64: 2, 16>, scalar_prefetch = 0 : i64, scratch_operands = 10 : i64, tpu.core_type = #tpu.core_type<sc_vector_subcore>, window_params = [{transform_indices = #map}, {transform_indices = #map1}, {transform_indices = #map}, {transform_indices = #map}]} {
    %mul3A = arith.constant 2 : i32
    %mul3A_0 = arith.muli %arg1, %mul3A : i32
    %add3A = arith.addi %mul3A_0, %arg0 : i32
    %mul3A_1 = arith.constant 8192 : i32
    %mul3A_2 = arith.muli %add3A, %mul3A_1 : i32
    "tpu.region"() ({
      %run_scoped3A_73 = tpu.sem_alloc : memref<!tpu.dma_semaphore, #tpu.memory_space<semaphore_mem>>
      %dma_start3A_74 = arith.constant 0 : i32
      %dma_start3A_75 = tpu.memref_slice %arg4[%add3A, %dma_start3A_74] : memref<32x8xi32, #tpu.memory_space<hbm>> -> memref<1x8xi32, #tpu.memory_space<hbm>>
      %dma_start3A_76 = tpu.memref_squeeze %dma_start3A_75 : memref<1x8xi32, #tpu.memory_space<hbm>> -> memref<8xi32, #tpu.memory_space<hbm>>
      %dma_start3A_77 = arith.constant 0 : i32
      %dma_start3A_78 = tpu.memref_slice %arg4[%add3A, %dma_start3A_77] : memref<32x8xi32, #tpu.memory_space<hbm>> -> memref<1x8xi32, #tpu.memory_space<hbm>>
      %dma_start3A_79 = tpu.memref_squeeze %dma_start3A_78 : memref<1x8xi32, #tpu.memory_space<hbm>> -> memref<8xi32, #tpu.memory_space<hbm>>
      tpu.enqueue_dma source(%dma_start3A_79 : memref<8xi32, #tpu.memory_space<hbm>>) target(%arg8 : memref<8xi32, #tpu.memory_space<vmem>>) target_semaphore(%run_scoped3A_73 : memref<!tpu.dma_semaphore, #tpu.memory_space<semaphore_mem>>)
      %dma_wait3A_80 = arith.constant 0 : i32
      %dma_wait3A_81 = tpu.memref_slice %arg4[%add3A, %dma_wait3A_80] : memref<32x8xi32, #tpu.memory_space<hbm>> -> memref<1x8xi32, #tpu.memory_space<hbm>>
      %dma_wait3A_82 = tpu.memref_squeeze %dma_wait3A_81 : memref<1x8xi32, #tpu.memory_space<hbm>> -> memref<8xi32, #tpu.memory_space<hbm>>
      %dma_wait3A_83 = arith.constant 0 : i32
      %dma_wait3A_84 = tpu.memref_slice %arg4[%add3A, %dma_wait3A_83] : memref<32x8xi32, #tpu.memory_space<hbm>> -> memref<1x8xi32, #tpu.memory_space<hbm>>
      %dma_wait3A_85 = tpu.memref_squeeze %dma_wait3A_84 : memref<1x8xi32, #tpu.memory_space<hbm>> -> memref<8xi32, #tpu.memory_space<hbm>>
      tpu.wait_dma2 semaphore(%run_scoped3A_73 : memref<!tpu.dma_semaphore, #tpu.memory_space<semaphore_mem>>) src(%dma_wait3A_85 : memref<8xi32, #tpu.memory_space<hbm>>) dst(%arg8 : memref<8xi32, #tpu.memory_space<vmem>>)
      tpu.yield
    }) : () -> ()
    "tpu.region"() ({
      %run_scoped3A_73 = tpu.sem_alloc : memref<!tpu.dma_semaphore, #tpu.memory_space<semaphore_mem>>
      %dma_start3A_74 = arith.constant 0 : i32
      %dma_start3A_75 = arith.constant 0 : i32
      %dma_start3A_76 = tpu.memref_slice %arg3[%add3A, %dma_start3A_74, %dma_start3A_75] : memref<32x8x128xf32, #tpu.memory_space<hbm>> -> memref<1x8x128xf32, #tpu.memory_space<hbm>>
      %dma_start3A_77 = tpu.memref_squeeze %dma_start3A_76 : memref<1x8x128xf32, #tpu.memory_space<hbm>> -> memref<8x128xf32, #tpu.memory_space<hbm>>
      %dma_start3A_78 = arith.constant 0 : i32
      %dma_start3A_79 = arith.constant 0 : i32
      %dma_start3A_80 = tpu.memref_slice %arg3[%add3A, %dma_start3A_78, %dma_start3A_79] : memref<32x8x128xf32, #tpu.memory_space<hbm>> -> memref<1x8x128xf32, #tpu.memory_space<hbm>>
      %dma_start3A_81 = tpu.memref_squeeze %dma_start3A_80 : memref<1x8x128xf32, #tpu.memory_space<hbm>> -> memref<8x128xf32, #tpu.memory_space<hbm>>
      tpu.enqueue_dma source(%dma_start3A_81 : memref<8x128xf32, #tpu.memory_space<hbm>>) target(%arg7 : memref<8x128xf32, #tpu.memory_space<vmem>>) target_semaphore(%run_scoped3A_73 : memref<!tpu.dma_semaphore, #tpu.memory_space<semaphore_mem>>)
      %dma_wait3A_82 = arith.constant 0 : i32
      %dma_wait3A_83 = arith.constant 0 : i32
      %dma_wait3A_84 = tpu.memref_slice %arg3[%add3A, %dma_wait3A_82, %dma_wait3A_83] : memref<32x8x128xf32, #tpu.memory_space<hbm>> -> memref<1x8x128xf32, #tpu.memory_space<hbm>>
      %dma_wait3A_85 = tpu.memref_squeeze %dma_wait3A_84 : memref<1x8x128xf32, #tpu.memory_space<hbm>> -> memref<8x128xf32, #tpu.memory_space<hbm>>
      %dma_wait3A_86 = arith.constant 0 : i32
      %dma_wait3A_87 = arith.constant 0 : i32
      %dma_wait3A_88 = tpu.memref_slice %arg3[%add3A, %dma_wait3A_86, %dma_wait3A_87] : memref<32x8x128xf32, #tpu.memory_space<hbm>> -> memref<1x8x128xf32, #tpu.memory_space<hbm>>
      %dma_wait3A_89 = tpu.memref_squeeze %dma_wait3A_88 : memref<1x8x128xf32, #tpu.memory_space<hbm>> -> memref<8x128xf32, #tpu.memory_space<hbm>>
      tpu.wait_dma2 semaphore(%run_scoped3A_73 : memref<!tpu.dma_semaphore, #tpu.memory_space<semaphore_mem>>) src(%dma_wait3A_89 : memref<8x128xf32, #tpu.memory_space<hbm>>) dst(%arg7 : memref<8x128xf32, #tpu.memory_space<vmem>>)
      tpu.yield
    }) : () -> ()
    %add3A_3 = arith.constant 0 : i32
    %add3A_4 = arith.addi %mul3A_2, %add3A_3 : i32
    %run_scoped3A = arith.constant 0 : i32
    "tpu.region"() ({
      %run_scoped3A_73 = tpu.sem_alloc : memref<!tpu.dma_semaphore, #tpu.memory_space<semaphore_mem>>
      %dma_start3A_74 = arith.constant 0 : i32
      %dma_start3A_75 = arith.constant 0 : i32
      %dma_start3A_76 = tpu.memref_slice %arg6[%run_scoped3A, %dma_start3A_74, %dma_start3A_75] : memref<1x512x128xf32, #tpu.memory_space<vmem>> -> memref<1x512x128xf32, #tpu.memory_space<vmem>>
      %dma_start3A_77 = tpu.memref_squeeze %dma_start3A_76 : memref<1x512x128xf32, #tpu.memory_space<vmem>> -> memref<512x128xf32, #tpu.memory_space<vmem>>
      %dma_start3A_78 = arith.constant 0 : i32
      %dma_start3A_79 = tpu.memref_slice %arg2[%add3A_4, %dma_start3A_78] : memref<262144x128xf32, #tpu.memory_space<hbm>> -> memref<512x128xf32, #tpu.memory_space<hbm>>
      %dma_start3A_80 = arith.constant 0 : i32
      %dma_start3A_81 = arith.constant 0 : i32
      %dma_start3A_82 = tpu.memref_slice %arg6[%run_scoped3A, %dma_start3A_80, %dma_start3A_81] : memref<1x512x128xf32, #tpu.memory_space<vmem>> -> memref<1x512x128xf32, #tpu.memory_space<vmem>>
      %dma_start3A_83 = tpu.memref_squeeze %dma_start3A_82 : memref<1x512x128xf32, #tpu.memory_space<vmem>> -> memref<512x128xf32, #tpu.memory_space<vmem>>
      %dma_start3A_84 = arith.constant 0 : i32
      %dma_start3A_85 = tpu.memref_slice %arg2[%add3A_4, %dma_start3A_84] : memref<262144x128xf32, #tpu.memory_space<hbm>> -> memref<512x128xf32, #tpu.memory_space<hbm>>
      tpu.enqueue_dma source(%dma_start3A_85 : memref<512x128xf32, #tpu.memory_space<hbm>>) target(%dma_start3A_83 : memref<512x128xf32, #tpu.memory_space<vmem>>) target_semaphore(%run_scoped3A_73 : memref<!tpu.dma_semaphore, #tpu.memory_space<semaphore_mem>>)
      %dma_wait3A_86 = arith.constant 0 : i32
      %dma_wait3A_87 = arith.constant 0 : i32
      %dma_wait3A_88 = tpu.memref_slice %arg6[%run_scoped3A, %dma_wait3A_86, %dma_wait3A_87] : memref<1x512x128xf32, #tpu.memory_space<vmem>> -> memref<1x512x128xf32, #tpu.memory_space<vmem>>
      %dma_wait3A_89 = tpu.memref_squeeze %dma_wait3A_88 : memref<1x512x128xf32, #tpu.memory_space<vmem>> -> memref<512x128xf32, #tpu.memory_space<vmem>>
      %dma_wait3A_90 = arith.constant 0 : i32
      %dma_wait3A_91 = tpu.memref_slice %arg2[%add3A_4, %dma_wait3A_90] : memref<262144x128xf32, #tpu.memory_space<hbm>> -> memref<512x128xf32, #tpu.memory_space<hbm>>
      %dma_wait3A_92 = arith.constant 0 : i32
      %dma_wait3A_93 = arith.constant 0 : i32
      %dma_wait3A_94 = tpu.memref_slice %arg6[%run_scoped3A, %dma_wait3A_92, %dma_wait3A_93] : memref<1x512x128xf32, #tpu.memory_space<vmem>> -> memref<1x512x128xf32, #tpu.memory_space<vmem>>
      %dma_wait3A_95 = tpu.memref_squeeze %dma_wait3A_94 : memref<1x512x128xf32, #tpu.memory_space<vmem>> -> memref<512x128xf32, #tpu.memory_space<vmem>>
      %dma_wait3A_96 = arith.constant 0 : i32
      %dma_wait3A_97 = tpu.memref_slice %arg2[%add3A_4, %dma_wait3A_96] : memref<262144x128xf32, #tpu.memory_space<hbm>> -> memref<512x128xf32, #tpu.memory_space<hbm>>
      tpu.wait_dma2 semaphore(%run_scoped3A_73 : memref<!tpu.dma_semaphore, #tpu.memory_space<semaphore_mem>>) src(%dma_wait3A_97 : memref<512x128xf32, #tpu.memory_space<hbm>>) dst(%dma_wait3A_95 : memref<512x128xf32, #tpu.memory_space<vmem>>)
      tpu.yield
    }) : () -> ()
    %run_scoped3A_5 = arith.constant 0 : i32
    "tpu.region"() ({
      %run_scoped3A_73 = tpu.sem_alloc : memref<!tpu.dma_semaphore, #tpu.memory_space<semaphore_mem>>
      %dma_start3A_74 = arith.constant 0 : i32
      %dma_start3A_75 = arith.constant 0 : i32
      %dma_start3A_76 = tpu.memref_slice %arg6[%run_scoped3A_5, %dma_start3A_74, %dma_start3A_75] : memref<1x512x128xf32, #tpu.memory_space<vmem>> -> memref<1x512x128xf32, #tpu.memory_space<vmem>>
      %dma_start3A_77 = tpu.memref_squeeze %dma_start3A_76 : memref<1x512x128xf32, #tpu.memory_space<vmem>> -> memref<512x128xf32, #tpu.memory_space<vmem>>
      %dma_start3A_78 = arith.constant 0 : i32
      %dma_start3A_79 = tpu.memref_slice %arg5[%add3A_4, %dma_start3A_78] : memref<262144x128xf32, #tpu.memory_space<hbm>> -> memref<512x128xf32, #tpu.memory_space<hbm>>
      %dma_start3A_80 = arith.constant 0 : i32
      %dma_start3A_81 = tpu.memref_slice %arg5[%add3A_4, %dma_start3A_80] : memref<262144x128xf32, #tpu.memory_space<hbm>> -> memref<512x128xf32, #tpu.memory_space<hbm>>
      %dma_start3A_82 = arith.constant 0 : i32
      %dma_start3A_83 = arith.constant 0 : i32
      %dma_start3A_84 = tpu.memref_slice %arg6[%run_scoped3A_5, %dma_start3A_82, %dma_start3A_83] : memref<1x512x128xf32, #tpu.memory_space<vmem>> -> memref<1x512x128xf32, #tpu.memory_space<vmem>>
      %dma_start3A_85 = tpu.memref_squeeze %dma_start3A_84 : memref<1x512x128xf32, #tpu.memory_space<vmem>> -> memref<512x128xf32, #tpu.memory_space<vmem>>
      tpu.enqueue_dma source(%dma_start3A_85 : memref<512x128xf32, #tpu.memory_space<vmem>>) target(%dma_start3A_81 : memref<512x128xf32, #tpu.memory_space<hbm>>) target_semaphore(%run_scoped3A_73 : memref<!tpu.dma_semaphore, #tpu.memory_space<semaphore_mem>>)
      %dma_wait3A_86 = arith.constant 0 : i32
      %dma_wait3A_87 = arith.constant 0 : i32
      %dma_wait3A_88 = tpu.memref_slice %arg6[%run_scoped3A_5, %dma_wait3A_86, %dma_wait3A_87] : memref<1x512x128xf32, #tpu.memory_space<vmem>> -> memref<1x512x128xf32, #tpu.memory_space<vmem>>
      %dma_wait3A_89 = tpu.memref_squeeze %dma_wait3A_88 : memref<1x512x128xf32, #tpu.memory_space<vmem>> -> memref<512x128xf32, #tpu.memory_space<vmem>>
      %dma_wait3A_90 = arith.constant 0 : i32
      %dma_wait3A_91 = tpu.memref_slice %arg5[%add3A_4, %dma_wait3A_90] : memref<262144x128xf32, #tpu.memory_space<hbm>> -> memref<512x128xf32, #tpu.memory_space<hbm>>
      %dma_wait3A_92 = arith.constant 0 : i32
      %dma_wait3A_93 = tpu.memref_slice %arg5[%add3A_4, %dma_wait3A_92] : memref<262144x128xf32, #tpu.memory_space<hbm>> -> memref<512x128xf32, #tpu.memory_space<hbm>>
      %dma_wait3A_94 = arith.constant 0 : i32
      %dma_wait3A_95 = arith.constant 0 : i32
      %dma_wait3A_96 = tpu.memref_slice %arg6[%run_scoped3A_5, %dma_wait3A_94, %dma_wait3A_95] : memref<1x512x128xf32, #tpu.memory_space<vmem>> -> memref<1x512x128xf32, #tpu.memory_space<vmem>>
      %dma_wait3A_97 = tpu.memref_squeeze %dma_wait3A_96 : memref<1x512x128xf32, #tpu.memory_space<vmem>> -> memref<512x128xf32, #tpu.memory_space<vmem>>
      tpu.wait_dma2 semaphore(%run_scoped3A_73 : memref<!tpu.dma_semaphore, #tpu.memory_space<semaphore_mem>>) src(%dma_wait3A_97 : memref<512x128xf32, #tpu.memory_space<vmem>>) dst(%dma_wait3A_93 : memref<512x128xf32, #tpu.memory_space<hbm>>)
      tpu.yield
    }) : () -> ()
    %add3A_6 = arith.constant 512 : i32
    %add3A_7 = arith.addi %mul3A_2, %add3A_6 : i32
    %run_scoped3A_8 = arith.constant 0 : i32
    "tpu.region"() ({
      %run_scoped3A_73 = tpu.sem_alloc : memref<!tpu.dma_semaphore, #tpu.memory_space<semaphore_mem>>
      %dma_start3A_74 = arith.constant 0 : i32
      %dma_start3A_75 = arith.constant 0 : i32
      %dma_start3A_76 = tpu.memref_slice %arg6[%run_scoped3A_8, %dma_start3A_74, %dma_start3A_75] : memref<1x512x128xf32, #tpu.memory_space<vmem>> -> memref<1x512x128xf32, #tpu.memory_space<vmem>>
      %dma_start3A_77 = tpu.memref_squeeze %dma_start3A_76 : memref<1x512x128xf32, #tpu.memory_space<vmem>> -> memref<512x128xf32, #tpu.memory_space<vmem>>
      %dma_start3A_78 = arith.constant 0 : i32
      %dma_start3A_79 = tpu.memref_slice %arg2[%add3A_7, %dma_start3A_78] : memref<262144x128xf32, #tpu.memory_space<hbm>> -> memref<512x128xf32, #tpu.memory_space<hbm>>
      %dma_start3A_80 = arith.constant 0 : i32
      %dma_start3A_81 = arith.constant 0 : i32
      %dma_start3A_82 = tpu.memref_slice %arg6[%run_scoped3A_8, %dma_start3A_80, %dma_start3A_81] : memref<1x512x128xf32, #tpu.memory_space<vmem>> -> memref<1x512x128xf32, #tpu.memory_space<vmem>>
      %dma_start3A_83 = tpu.memref_squeeze %dma_start3A_82 : memref<1x512x128xf32, #tpu.memory_space<vmem>> -> memref<512x128xf32, #tpu.memory_space<vmem>>
      %dma_start3A_84 = arith.constant 0 : i32
      %dma_start3A_85 = tpu.memref_slice %arg2[%add3A_7, %dma_start3A_84] : memref<262144x128xf32, #tpu.memory_space<hbm>> -> memref<512x128xf32, #tpu.memory_space<hbm>>
      tpu.enqueue_dma source(%dma_start3A_85 : memref<512x128xf32, #tpu.memory_space<hbm>>) target(%dma_start3A_83 : memref<512x128xf32, #tpu.memory_space<vmem>>) target_semaphore(%run_scoped3A_73 : memref<!tpu.dma_semaphore, #tpu.memory_space<semaphore_mem>>)
      %dma_wait3A_86 = arith.constant 0 : i32
      %dma_wait3A_87 = arith.constant 0 : i32
      %dma_wait3A_88 = tpu.memref_slice %arg6[%run_scoped3A_8, %dma_wait3A_86, %dma_wait3A_87] : memref<1x512x128xf32, #tpu.memory_space<vmem>> -> memref<1x512x128xf32, #tpu.memory_space<vmem>>
      %dma_wait3A_89 = tpu.memref_squeeze %dma_wait3A_88 : memref<1x512x128xf32, #tpu.memory_space<vmem>> -> memref<512x128xf32, #tpu.memory_space<vmem>>
      %dma_wait3A_90 = arith.constant 0 : i32
      %dma_wait3A_91 = tpu.memref_slice %arg2[%add3A_7, %dma_wait3A_90] : memref<262144x128xf32, #tpu.memory_space<hbm>> -> memref<512x128xf32, #tpu.memory_space<hbm>>
      %dma_wait3A_92 = arith.constant 0 : i32
      %dma_wait3A_93 = arith.constant 0 : i32
      %dma_wait3A_94 = tpu.memref_slice %arg6[%run_scoped3A_8, %dma_wait3A_92, %dma_wait3A_93] : memref<1x512x128xf32, #tpu.memory_space<vmem>> -> memref<1x512x128xf32, #tpu.memory_space<vmem>>
      %dma_wait3A_95 = tpu.memref_squeeze %dma_wait3A_94 : memref<1x512x128xf32, #tpu.memory_space<vmem>> -> memref<512x128xf32, #tpu.memory_space<vmem>>
      %dma_wait3A_96 = arith.constant 0 : i32
      %dma_wait3A_97 = tpu.memref_slice %arg2[%add3A_7, %dma_wait3A_96] : memref<262144x128xf32, #tpu.memory_space<hbm>> -> memref<512x128xf32, #tpu.memory_space<hbm>>
      tpu.wait_dma2 semaphore(%run_scoped3A_73 : memref<!tpu.dma_semaphore, #tpu.memory_space<semaphore_mem>>) src(%dma_wait3A_97 : memref<512x128xf32, #tpu.memory_space<hbm>>) dst(%dma_wait3A_95 : memref<512x128xf32, #tpu.memory_space<vmem>>)
      tpu.yield
    }) : () -> ()
    %run_scoped3A_9 = arith.constant 0 : i32
    "tpu.region"() ({
      %run_scoped3A_73 = tpu.sem_alloc : memref<!tpu.dma_semaphore, #tpu.memory_space<semaphore_mem>>
      %dma_start3A_74 = arith.constant 0 : i32
      %dma_start3A_75 = arith.constant 0 : i32
      %dma_start3A_76 = tpu.memref_slice %arg6[%run_scoped3A_9, %dma_start3A_74, %dma_start3A_75] : memref<1x512x128xf32, #tpu.memory_space<vmem>> -> memref<1x512x128xf32, #tpu.memory_space<vmem>>
      %dma_start3A_77 = tpu.memref_squeeze %dma_start3A_76 : memref<1x512x128xf32, #tpu.memory_space<vmem>> -> memref<512x128xf32, #tpu.memory_space<vmem>>
      %dma_start3A_78 = arith.constant 0 : i32
      %dma_start3A_79 = tpu.memref_slice %arg5[%add3A_7, %dma_start3A_78] : memref<262144x128xf32, #tpu.memory_space<hbm>> -> memref<512x128xf32, #tpu.memory_space<hbm>>
      %dma_start3A_80 = arith.constant 0 : i32
      %dma_start3A_81 = tpu.memref_slice %arg5[%add3A_7, %dma_start3A_80] : memref<262144x128xf32, #tpu.memory_space<hbm>> -> memref<512x128xf32, #tpu.memory_space<hbm>>
      %dma_start3A_82 = arith.constant 0 : i32
      %dma_start3A_83 = arith.constant 0 : i32
      %dma_start3A_84 = tpu.memref_slice %arg6[%run_scoped3A_9, %dma_start3A_82, %dma_start3A_83] : memref<1x512x128xf32, #tpu.memory_space<vmem>> -> memref<1x512x128xf32, #tpu.memory_space<vmem>>
      %dma_start3A_85 = tpu.memref_squeeze %dma_start3A_84 : memref<1x512x128xf32, #tpu.memory_space<vmem>> -> memref<512x128xf32, #tpu.memory_space<vmem>>
      tpu.enqueue_dma source(%dma_start3A_85 : memref<512x128xf32, #tpu.memory_space<vmem>>) target(%dma_start3A_81 : memref<512x128xf32, #tpu.memory_space<hbm>>) target_semaphore(%run_scoped3A_73 : memref<!tpu.dma_semaphore, #tpu.memory_space<semaphore_mem>>)
      %dma_wait3A_86 = arith.constant 0 : i32
      %dma_wait3A_87 = arith.constant 0 : i32
      %dma_wait3A_88 = tpu.memref_slice %arg6[%run_scoped3A_9, %dma_wait3A_86, %dma_wait3A_87] : memref<1x512x128xf32, #tpu.memory_space<vmem>> -> memref<1x512x128xf32, #tpu.memory_space<vmem>>
      %dma_wait3A_89 = tpu.memref_squeeze %dma_wait3A_88 : memref<1x512x128xf32, #tpu.memory_space<vmem>> -> memref<512x128xf32, #tpu.memory_space<vmem>>
      %dma_wait3A_90 = arith.constant 0 : i32
      %dma_wait3A_91 = tpu.memref_slice %arg5[%add3A_7, %dma_wait3A_90] : memref<262144x128xf32, #tpu.memory_space<hbm>> -> memref<512x128xf32, #tpu.memory_space<hbm>>
      %dma_wait3A_92 = arith.constant 0 : i32
      %dma_wait3A_93 = tpu.memref_slice %arg5[%add3A_7, %dma_wait3A_92] : memref<262144x128xf32, #tpu.memory_space<hbm>> -> memref<512x128xf32, #tpu.memory_space<hbm>>
      %dma_wait3A_94 = arith.constant 0 : i32
      %dma_wait3A_95 = arith.constant 0 : i32
      %dma_wait3A_96 = tpu.memref_slice %arg6[%run_scoped3A_9, %dma_wait3A_94, %dma_wait3A_95] : memref<1x512x128xf32, #tpu.memory_space<vmem>> -> memref<1x512x128xf32, #tpu.memory_space<vmem>>
      %dma_wait3A_97 = tpu.memref_squeeze %dma_wait3A_96 : memref<1x512x128xf32, #tpu.memory_space<vmem>> -> memref<512x128xf32, #tpu.memory_space<vmem>>
      tpu.wait_dma2 semaphore(%run_scoped3A_73 : memref<!tpu.dma_semaphore, #tpu.memory_space<semaphore_mem>>) src(%dma_wait3A_97 : memref<512x128xf32, #tpu.memory_space<vmem>>) dst(%dma_wait3A_93 : memref<512x128xf32, #tpu.memory_space<hbm>>)
      tpu.yield
    }) : () -> ()
    %add3A_10 = arith.constant 1024 : i32
    %add3A_11 = arith.addi %mul3A_2, %add3A_10 : i32
    %run_scoped3A_12 = arith.constant 0 : i32
    "tpu.region"() ({
      %run_scoped3A_73 = tpu.sem_alloc : memref<!tpu.dma_semaphore, #tpu.memory_space<semaphore_mem>>
      %dma_start3A_74 = arith.constant 0 : i32
      %dma_start3A_75 = arith.constant 0 : i32
      %dma_start3A_76 = tpu.memref_slice %arg6[%run_scoped3A_12, %dma_start3A_74, %dma_start3A_75] : memref<1x512x128xf32, #tpu.memory_space<vmem>> -> memref<1x512x128xf32, #tpu.memory_space<vmem>>
      %dma_start3A_77 = tpu.memref_squeeze %dma_start3A_76 : memref<1x512x128xf32, #tpu.memory_space<vmem>> -> memref<512x128xf32, #tpu.memory_space<vmem>>
      %dma_start3A_78 = arith.constant 0 : i32
      %dma_start3A_79 = tpu.memref_slice %arg2[%add3A_11, %dma_start3A_78] : memref<262144x128xf32, #tpu.memory_space<hbm>> -> memref<512x128xf32, #tpu.memory_space<hbm>>
      %dma_start3A_80 = arith.constant 0 : i32
      %dma_start3A_81 = arith.constant 0 : i32
      %dma_start3A_82 = tpu.memref_slice %arg6[%run_scoped3A_12, %dma_start3A_80, %dma_start3A_81] : memref<1x512x128xf32, #tpu.memory_space<vmem>> -> memref<1x512x128xf32, #tpu.memory_space<vmem>>
      %dma_start3A_83 = tpu.memref_squeeze %dma_start3A_82 : memref<1x512x128xf32, #tpu.memory_space<vmem>> -> memref<512x128xf32, #tpu.memory_space<vmem>>
      %dma_start3A_84 = arith.constant 0 : i32
      %dma_start3A_85 = tpu.memref_slice %arg2[%add3A_11, %dma_start3A_84] : memref<262144x128xf32, #tpu.memory_space<hbm>> -> memref<512x128xf32, #tpu.memory_space<hbm>>
      tpu.enqueue_dma source(%dma_start3A_85 : memref<512x128xf32, #tpu.memory_space<hbm>>) target(%dma_start3A_83 : memref<512x128xf32, #tpu.memory_space<vmem>>) target_semaphore(%run_scoped3A_73 : memref<!tpu.dma_semaphore, #tpu.memory_space<semaphore_mem>>)
      %dma_wait3A_86 = arith.constant 0 : i32
      %dma_wait3A_87 = arith.constant 0 : i32
      %dma_wait3A_88 = tpu.memref_slice %arg6[%run_scoped3A_12, %dma_wait3A_86, %dma_wait3A_87] : memref<1x512x128xf32, #tpu.memory_space<vmem>> -> memref<1x512x128xf32, #tpu.memory_space<vmem>>
      %dma_wait3A_89 = tpu.memref_squeeze %dma_wait3A_88 : memref<1x512x128xf32, #tpu.memory_space<vmem>> -> memref<512x128xf32, #tpu.memory_space<vmem>>
      %dma_wait3A_90 = arith.constant 0 : i32
      %dma_wait3A_91 = tpu.memref_slice %arg2[%add3A_11, %dma_wait3A_90] : memref<262144x128xf32, #tpu.memory_space<hbm>> -> memref<512x128xf32, #tpu.memory_space<hbm>>
      %dma_wait3A_92 = arith.constant 0 : i32
      %dma_wait3A_93 = arith.constant 0 : i32
      %dma_wait3A_94 = tpu.memref_slice %arg6[%run_scoped3A_12, %dma_wait3A_92, %dma_wait3A_93] : memref<1x512x128xf32, #tpu.memory_space<vmem>> -> memref<1x512x128xf32, #tpu.memory_space<vmem>>
      %dma_wait3A_95 = tpu.memref_squeeze %dma_wait3A_94 : memref<1x512x128xf32, #tpu.memory_space<vmem>> -> memref<512x128xf32, #tpu.memory_space<vmem>>
      %dma_wait3A_96 = arith.constant 0 : i32
      %dma_wait3A_97 = tpu.memref_slice %arg2[%add3A_11, %dma_wait3A_96] : memref<262144x128xf32, #tpu.memory_space<hbm>> -> memref<512x128xf32, #tpu.memory_space<hbm>>
      tpu.wait_dma2 semaphore(%run_scoped3A_73 : memref<!tpu.dma_semaphore, #tpu.memory_space<semaphore_mem>>) src(%dma_wait3A_97 : memref<512x128xf32, #tpu.memory_space<hbm>>) dst(%dma_wait3A_95 : memref<512x128xf32, #tpu.memory_space<vmem>>)
      tpu.yield
    }) : () -> ()
    %run_scoped3A_13 = arith.constant 0 : i32
    "tpu.region"() ({
      %run_scoped3A_73 = tpu.sem_alloc : memref<!tpu.dma_semaphore, #tpu.memory_space<semaphore_mem>>
      %dma_start3A_74 = arith.constant 0 : i32
      %dma_start3A_75 = arith.constant 0 : i32
      %dma_start3A_76 = tpu.memref_slice %arg6[%run_scoped3A_13, %dma_start3A_74, %dma_start3A_75] : memref<1x512x128xf32, #tpu.memory_space<vmem>> -> memref<1x512x128xf32, #tpu.memory_space<vmem>>
      %dma_start3A_77 = tpu.memref_squeeze %dma_start3A_76 : memref<1x512x128xf32, #tpu.memory_space<vmem>> -> memref<512x128xf32, #tpu.memory_space<vmem>>
      %dma_start3A_78 = arith.constant 0 : i32
      %dma_start3A_79 = tpu.memref_slice %arg5[%add3A_11, %dma_start3A_78] : memref<262144x128xf32, #tpu.memory_space<hbm>> -> memref<512x128xf32, #tpu.memory_space<hbm>>
      %dma_start3A_80 = arith.constant 0 : i32
      %dma_start3A_81 = tpu.memref_slice %arg5[%add3A_11, %dma_start3A_80] : memref<262144x128xf32, #tpu.memory_space<hbm>> -> memref<512x128xf32, #tpu.memory_space<hbm>>
      %dma_start3A_82 = arith.constant 0 : i32
      %dma_start3A_83 = arith.constant 0 : i32
      %dma_start3A_84 = tpu.memref_slice %arg6[%run_scoped3A_13, %dma_start3A_82, %dma_start3A_83] : memref<1x512x128xf32, #tpu.memory_space<vmem>> -> memref<1x512x128xf32, #tpu.memory_space<vmem>>
      %dma_start3A_85 = tpu.memref_squeeze %dma_start3A_84 : memref<1x512x128xf32, #tpu.memory_space<vmem>> -> memref<512x128xf32, #tpu.memory_space<vmem>>
      tpu.enqueue_dma source(%dma_start3A_85 : memref<512x128xf32, #tpu.memory_space<vmem>>) target(%dma_start3A_81 : memref<512x128xf32, #tpu.memory_space<hbm>>) target_semaphore(%run_scoped3A_73 : memref<!tpu.dma_semaphore, #tpu.memory_space<semaphore_mem>>)
      %dma_wait3A_86 = arith.constant 0 : i32
      %dma_wait3A_87 = arith.constant 0 : i32
      %dma_wait3A_88 = tpu.memref_slice %arg6[%run_scoped3A_13, %dma_wait3A_86, %dma_wait3A_87] : memref<1x512x128xf32, #tpu.memory_space<vmem>> -> memref<1x512x128xf32, #tpu.memory_space<vmem>>
      %dma_wait3A_89 = tpu.memref_squeeze %dma_wait3A_88 : memref<1x512x128xf32, #tpu.memory_space<vmem>> -> memref<512x128xf32, #tpu.memory_space<vmem>>
      %dma_wait3A_90 = arith.constant 0 : i32
      %dma_wait3A_91 = tpu.memref_slice %arg5[%add3A_11, %dma_wait3A_90] : memref<262144x128xf32, #tpu.memory_space<hbm>> -> memref<512x128xf32, #tpu.memory_space<hbm>>
      %dma_wait3A_92 = arith.constant 0 : i32
      %dma_wait3A_93 = tpu.memref_slice %arg5[%add3A_11, %dma_wait3A_92] : memref<262144x128xf32, #tpu.memory_space<hbm>> -> memref<512x128xf32, #tpu.memory_space<hbm>>
      %dma_wait3A_94 = arith.constant 0 : i32
      %dma_wait3A_95 = arith.constant 0 : i32
      %dma_wait3A_96 = tpu.memref_slice %arg6[%run_scoped3A_13, %dma_wait3A_94, %dma_wait3A_95] : memref<1x512x128xf32, #tpu.memory_space<vmem>> -> memref<1x512x128xf32, #tpu.memory_space<vmem>>
      %dma_wait3A_97 = tpu.memref_squeeze %dma_wait3A_96 : memref<1x512x128xf32, #tpu.memory_space<vmem>> -> memref<512x128xf32, #tpu.memory_space<vmem>>
      tpu.wait_dma2 semaphore(%run_scoped3A_73 : memref<!tpu.dma_semaphore, #tpu.memory_space<semaphore_mem>>) src(%dma_wait3A_97 : memref<512x128xf32, #tpu.memory_space<vmem>>) dst(%dma_wait3A_93 : memref<512x128xf32, #tpu.memory_space<hbm>>)
      tpu.yield
    }) : () -> ()
    %add3A_14 = arith.constant 1536 : i32
    %add3A_15 = arith.addi %mul3A_2, %add3A_14 : i32
    %run_scoped3A_16 = arith.constant 0 : i32
    "tpu.region"() ({
      %run_scoped3A_73 = tpu.sem_alloc : memref<!tpu.dma_semaphore, #tpu.memory_space<semaphore_mem>>
      %dma_start3A_74 = arith.constant 0 : i32
      %dma_start3A_75 = arith.constant 0 : i32
      %dma_start3A_76 = tpu.memref_slice %arg6[%run_scoped3A_16, %dma_start3A_74, %dma_start3A_75] : memref<1x512x128xf32, #tpu.memory_space<vmem>> -> memref<1x512x128xf32, #tpu.memory_space<vmem>>
      %dma_start3A_77 = tpu.memref_squeeze %dma_start3A_76 : memref<1x512x128xf32, #tpu.memory_space<vmem>> -> memref<512x128xf32, #tpu.memory_space<vmem>>
      %dma_start3A_78 = arith.constant 0 : i32
      %dma_start3A_79 = tpu.memref_slice %arg2[%add3A_15, %dma_start3A_78] : memref<262144x128xf32, #tpu.memory_space<hbm>> -> memref<512x128xf32, #tpu.memory_space<hbm>>
      %dma_start3A_80 = arith.constant 0 : i32
      %dma_start3A_81 = arith.constant 0 : i32
      %dma_start3A_82 = tpu.memref_slice %arg6[%run_scoped3A_16, %dma_start3A_80, %dma_start3A_81] : memref<1x512x128xf32, #tpu.memory_space<vmem>> -> memref<1x512x128xf32, #tpu.memory_space<vmem>>
      %dma_start3A_83 = tpu.memref_squeeze %dma_start3A_82 : memref<1x512x128xf32, #tpu.memory_space<vmem>> -> memref<512x128xf32, #tpu.memory_space<vmem>>
      %dma_start3A_84 = arith.constant 0 : i32
      %dma_start3A_85 = tpu.memref_slice %arg2[%add3A_15, %dma_start3A_84] : memref<262144x128xf32, #tpu.memory_space<hbm>> -> memref<512x128xf32, #tpu.memory_space<hbm>>
      tpu.enqueue_dma source(%dma_start3A_85 : memref<512x128xf32, #tpu.memory_space<hbm>>) target(%dma_start3A_83 : memref<512x128xf32, #tpu.memory_space<vmem>>) target_semaphore(%run_scoped3A_73 : memref<!tpu.dma_semaphore, #tpu.memory_space<semaphore_mem>>)
      %dma_wait3A_86 = arith.constant 0 : i32
      %dma_wait3A_87 = arith.constant 0 : i32
      %dma_wait3A_88 = tpu.memref_slice %arg6[%run_scoped3A_16, %dma_wait3A_86, %dma_wait3A_87] : memref<1x512x128xf32, #tpu.memory_space<vmem>> -> memref<1x512x128xf32, #tpu.memory_space<vmem>>
      %dma_wait3A_89 = tpu.memref_squeeze %dma_wait3A_88 : memref<1x512x128xf32, #tpu.memory_space<vmem>> -> memref<512x128xf32, #tpu.memory_space<vmem>>
      %dma_wait3A_90 = arith.constant 0 : i32
      %dma_wait3A_91 = tpu.memref_slice %arg2[%add3A_15, %dma_wait3A_90] : memref<262144x128xf32, #tpu.memory_space<hbm>> -> memref<512x128xf32, #tpu.memory_space<hbm>>
      %dma_wait3A_92 = arith.constant 0 : i32
      %dma_wait3A_93 = arith.constant 0 : i32
      %dma_wait3A_94 = tpu.memref_slice %arg6[%run_scoped3A_16, %dma_wait3A_92, %dma_wait3A_93] : memref<1x512x128xf32, #tpu.memory_space<vmem>> -> memref<1x512x128xf32, #tpu.memory_space<vmem>>
      %dma_wait3A_95 = tpu.memref_squeeze %dma_wait3A_94 : memref<1x512x128xf32, #tpu.memory_space<vmem>> -> memref<512x128xf32, #tpu.memory_space<vmem>>
      %dma_wait3A_96 = arith.constant 0 : i32
      %dma_wait3A_97 = tpu.memref_slice %arg2[%add3A_15, %dma_wait3A_96] : memref<262144x128xf32, #tpu.memory_space<hbm>> -> memref<512x128xf32, #tpu.memory_space<hbm>>
      tpu.wait_dma2 semaphore(%run_scoped3A_73 : memref<!tpu.dma_semaphore, #tpu.memory_space<semaphore_mem>>) src(%dma_wait3A_97 : memref<512x128xf32, #tpu.memory_space<hbm>>) dst(%dma_wait3A_95 : memref<512x128xf32, #tpu.memory_space<vmem>>)
      tpu.yield
    }) : () -> ()
    %run_scoped3A_17 = arith.constant 0 : i32
    "tpu.region"() ({
      %run_scoped3A_73 = tpu.sem_alloc : memref<!tpu.dma_semaphore, #tpu.memory_space<semaphore_mem>>
      %dma_start3A_74 = arith.constant 0 : i32
      %dma_start3A_75 = arith.constant 0 : i32
      %dma_start3A_76 = tpu.memref_slice %arg6[%run_scoped3A_17, %dma_start3A_74, %dma_start3A_75] : memref<1x512x128xf32, #tpu.memory_space<vmem>> -> memref<1x512x128xf32, #tpu.memory_space<vmem>>
      %dma_start3A_77 = tpu.memref_squeeze %dma_start3A_76 : memref<1x512x128xf32, #tpu.memory_space<vmem>> -> memref<512x128xf32, #tpu.memory_space<vmem>>
      %dma_start3A_78 = arith.constant 0 : i32
      %dma_start3A_79 = tpu.memref_slice %arg5[%add3A_15, %dma_start3A_78] : memref<262144x128xf32, #tpu.memory_space<hbm>> -> memref<512x128xf32, #tpu.memory_space<hbm>>
      %dma_start3A_80 = arith.constant 0 : i32
      %dma_start3A_81 = tpu.memref_slice %arg5[%add3A_15, %dma_start3A_80] : memref<262144x128xf32, #tpu.memory_space<hbm>> -> memref<512x128xf32, #tpu.memory_space<hbm>>
      %dma_start3A_82 = arith.constant 0 : i32
      %dma_start3A_83 = arith.constant 0 : i32
      %dma_start3A_84 = tpu.memref_slice %arg6[%run_scoped3A_17, %dma_start3A_82, %dma_start3A_83] : memref<1x512x128xf32, #tpu.memory_space<vmem>> -> memref<1x512x128xf32, #tpu.memory_space<vmem>>
      %dma_start3A_85 = tpu.memref_squeeze %dma_start3A_84 : memref<1x512x128xf32, #tpu.memory_space<vmem>> -> memref<512x128xf32, #tpu.memory_space<vmem>>
      tpu.enqueue_dma source(%dma_start3A_85 : memref<512x128xf32, #tpu.memory_space<vmem>>) target(%dma_start3A_81 : memref<512x128xf32, #tpu.memory_space<hbm>>) target_semaphore(%run_scoped3A_73 : memref<!tpu.dma_semaphore, #tpu.memory_space<semaphore_mem>>)
      %dma_wait3A_86 = arith.constant 0 : i32
      %dma_wait3A_87 = arith.constant 0 : i32
      %dma_wait3A_88 = tpu.memref_slice %arg6[%run_scoped3A_17, %dma_wait3A_86, %dma_wait3A_87] : memref<1x512x128xf32, #tpu.memory_space<vmem>> -> memref<1x512x128xf32, #tpu.memory_space<vmem>>
      %dma_wait3A_89 = tpu.memref_squeeze %dma_wait3A_88 : memref<1x512x128xf32, #tpu.memory_space<vmem>> -> memref<512x128xf32, #tpu.memory_space<vmem>>
      %dma_wait3A_90 = arith.constant 0 : i32
      %dma_wait3A_91 = tpu.memref_slice %arg5[%add3A_15, %dma_wait3A_90] : memref<262144x128xf32, #tpu.memory_space<hbm>> -> memref<512x128xf32, #tpu.memory_space<hbm>>
      %dma_wait3A_92 = arith.constant 0 : i32
      %dma_wait3A_93 = tpu.memref_slice %arg5[%add3A_15, %dma_wait3A_92] : memref<262144x128xf32, #tpu.memory_space<hbm>> -> memref<512x128xf32, #tpu.memory_space<hbm>>
      %dma_wait3A_94 = arith.constant 0 : i32
      %dma_wait3A_95 = arith.constant 0 : i32
      %dma_wait3A_96 = tpu.memref_slice %arg6[%run_scoped3A_17, %dma_wait3A_94, %dma_wait3A_95] : memref<1x512x128xf32, #tpu.memory_space<vmem>> -> memref<1x512x128xf32, #tpu.memory_space<vmem>>
      %dma_wait3A_97 = tpu.memref_squeeze %dma_wait3A_96 : memref<1x512x128xf32, #tpu.memory_space<vmem>> -> memref<512x128xf32, #tpu.memory_space<vmem>>
      tpu.wait_dma2 semaphore(%run_scoped3A_73 : memref<!tpu.dma_semaphore, #tpu.memory_space<semaphore_mem>>) src(%dma_wait3A_97 : memref<512x128xf32, #tpu.memory_space<vmem>>) dst(%dma_wait3A_93 : memref<512x128xf32, #tpu.memory_space<hbm>>)
      tpu.yield
    }) : () -> ()
    %add3A_18 = arith.constant 2048 : i32
    %add3A_19 = arith.addi %mul3A_2, %add3A_18 : i32
    %run_scoped3A_20 = arith.constant 0 : i32
    "tpu.region"() ({
      %run_scoped3A_73 = tpu.sem_alloc : memref<!tpu.dma_semaphore, #tpu.memory_space<semaphore_mem>>
      %dma_start3A_74 = arith.constant 0 : i32
      %dma_start3A_75 = arith.constant 0 : i32
      %dma_start3A_76 = tpu.memref_slice %arg6[%run_scoped3A_20, %dma_start3A_74, %dma_start3A_75] : memref<1x512x128xf32, #tpu.memory_space<vmem>> -> memref<1x512x128xf32, #tpu.memory_space<vmem>>
      %dma_start3A_77 = tpu.memref_squeeze %dma_start3A_76 : memref<1x512x128xf32, #tpu.memory_space<vmem>> -> memref<512x128xf32, #tpu.memory_space<vmem>>
      %dma_start3A_78 = arith.constant 0 : i32
      %dma_start3A_79 = tpu.memref_slice %arg2[%add3A_19, %dma_start3A_78] : memref<262144x128xf32, #tpu.memory_space<hbm>> -> memref<512x128xf32, #tpu.memory_space<hbm>>
      %dma_start3A_80 = arith.constant 0 : i32
      %dma_start3A_81 = arith.constant 0 : i32
      %dma_start3A_82 = tpu.memref_slice %arg6[%run_scoped3A_20, %dma_start3A_80, %dma_start3A_81] : memref<1x512x128xf32, #tpu.memory_space<vmem>> -> memref<1x512x128xf32, #tpu.memory_space<vmem>>
      %dma_start3A_83 = tpu.memref_squeeze %dma_start3A_82 : memref<1x512x128xf32, #tpu.memory_space<vmem>> -> memref<512x128xf32, #tpu.memory_space<vmem>>
      %dma_start3A_84 = arith.constant 0 : i32
      %dma_start3A_85 = tpu.memref_slice %arg2[%add3A_19, %dma_start3A_84] : memref<262144x128xf32, #tpu.memory_space<hbm>> -> memref<512x128xf32, #tpu.memory_space<hbm>>
      tpu.enqueue_dma source(%dma_start3A_85 : memref<512x128xf32, #tpu.memory_space<hbm>>) target(%dma_start3A_83 : memref<512x128xf32, #tpu.memory_space<vmem>>) target_semaphore(%run_scoped3A_73 : memref<!tpu.dma_semaphore, #tpu.memory_space<semaphore_mem>>)
      %dma_wait3A_86 = arith.constant 0 : i32
      %dma_wait3A_87 = arith.constant 0 : i32
      %dma_wait3A_88 = tpu.memref_slice %arg6[%run_scoped3A_20, %dma_wait3A_86, %dma_wait3A_87] : memref<1x512x128xf32, #tpu.memory_space<vmem>> -> memref<1x512x128xf32, #tpu.memory_space<vmem>>
      %dma_wait3A_89 = tpu.memref_squeeze %dma_wait3A_88 : memref<1x512x128xf32, #tpu.memory_space<vmem>> -> memref<512x128xf32, #tpu.memory_space<vmem>>
      %dma_wait3A_90 = arith.constant 0 : i32
      %dma_wait3A_91 = tpu.memref_slice %arg2[%add3A_19, %dma_wait3A_90] : memref<262144x128xf32, #tpu.memory_space<hbm>> -> memref<512x128xf32, #tpu.memory_space<hbm>>
      %dma_wait3A_92 = arith.constant 0 : i32
      %dma_wait3A_93 = arith.constant 0 : i32
      %dma_wait3A_94 = tpu.memref_slice %arg6[%run_scoped3A_20, %dma_wait3A_92, %dma_wait3A_93] : memref<1x512x128xf32, #tpu.memory_space<vmem>> -> memref<1x512x128xf32, #tpu.memory_space<vmem>>
      %dma_wait3A_95 = tpu.memref_squeeze %dma_wait3A_94 : memref<1x512x128xf32, #tpu.memory_space<vmem>> -> memref<512x128xf32, #tpu.memory_space<vmem>>
      %dma_wait3A_96 = arith.constant 0 : i32
      %dma_wait3A_97 = tpu.memref_slice %arg2[%add3A_19, %dma_wait3A_96] : memref<262144x128xf32, #tpu.memory_space<hbm>> -> memref<512x128xf32, #tpu.memory_space<hbm>>
      tpu.wait_dma2 semaphore(%run_scoped3A_73 : memref<!tpu.dma_semaphore, #tpu.memory_space<semaphore_mem>>) src(%dma_wait3A_97 : memref<512x128xf32, #tpu.memory_space<hbm>>) dst(%dma_wait3A_95 : memref<512x128xf32, #tpu.memory_space<vmem>>)
      tpu.yield
    }) : () -> ()
    %run_scoped3A_21 = arith.constant 0 : i32
    "tpu.region"() ({
      %run_scoped3A_73 = tpu.sem_alloc : memref<!tpu.dma_semaphore, #tpu.memory_space<semaphore_mem>>
      %dma_start3A_74 = arith.constant 0 : i32
      %dma_start3A_75 = arith.constant 0 : i32
      %dma_start3A_76 = tpu.memref_slice %arg6[%run_scoped3A_21, %dma_start3A_74, %dma_start3A_75] : memref<1x512x128xf32, #tpu.memory_space<vmem>> -> memref<1x512x128xf32, #tpu.memory_space<vmem>>
      %dma_start3A_77 = tpu.memref_squeeze %dma_start3A_76 : memref<1x512x128xf32, #tpu.memory_space<vmem>> -> memref<512x128xf32, #tpu.memory_space<vmem>>
      %dma_start3A_78 = arith.constant 0 : i32
      %dma_start3A_79 = tpu.memref_slice %arg5[%add3A_19, %dma_start3A_78] : memref<262144x128xf32, #tpu.memory_space<hbm>> -> memref<512x128xf32, #tpu.memory_space<hbm>>
      %dma_start3A_80 = arith.constant 0 : i32
      %dma_start3A_81 = tpu.memref_slice %arg5[%add3A_19, %dma_start3A_80] : memref<262144x128xf32, #tpu.memory_space<hbm>> -> memref<512x128xf32, #tpu.memory_space<hbm>>
      %dma_start3A_82 = arith.constant 0 : i32
      %dma_start3A_83 = arith.constant 0 : i32
      %dma_start3A_84 = tpu.memref_slice %arg6[%run_scoped3A_21, %dma_start3A_82, %dma_start3A_83] : memref<1x512x128xf32, #tpu.memory_space<vmem>> -> memref<1x512x128xf32, #tpu.memory_space<vmem>>
      %dma_start3A_85 = tpu.memref_squeeze %dma_start3A_84 : memref<1x512x128xf32, #tpu.memory_space<vmem>> -> memref<512x128xf32, #tpu.memory_space<vmem>>
      tpu.enqueue_dma source(%dma_start3A_85 : memref<512x128xf32, #tpu.memory_space<vmem>>) target(%dma_start3A_81 : memref<512x128xf32, #tpu.memory_space<hbm>>) target_semaphore(%run_scoped3A_73 : memref<!tpu.dma_semaphore, #tpu.memory_space<semaphore_mem>>)
      %dma_wait3A_86 = arith.constant 0 : i32
      %dma_wait3A_87 = arith.constant 0 : i32
      %dma_wait3A_88 = tpu.memref_slice %arg6[%run_scoped3A_21, %dma_wait3A_86, %dma_wait3A_87] : memref<1x512x128xf32, #tpu.memory_space<vmem>> -> memref<1x512x128xf32, #tpu.memory_space<vmem>>
      %dma_wait3A_89 = tpu.memref_squeeze %dma_wait3A_88 : memref<1x512x128xf32, #tpu.memory_space<vmem>> -> memref<512x128xf32, #tpu.memory_space<vmem>>
      %dma_wait3A_90 = arith.constant 0 : i32
      %dma_wait3A_91 = tpu.memref_slice %arg5[%add3A_19, %dma_wait3A_90] : memref<262144x128xf32, #tpu.memory_space<hbm>> -> memref<512x128xf32, #tpu.memory_space<hbm>>
      %dma_wait3A_92 = arith.constant 0 : i32
      %dma_wait3A_93 = tpu.memref_slice %arg5[%add3A_19, %dma_wait3A_92] : memref<262144x128xf32, #tpu.memory_space<hbm>> -> memref<512x128xf32, #tpu.memory_space<hbm>>
      %dma_wait3A_94 = arith.constant 0 : i32
      %dma_wait3A_95 = arith.constant 0 : i32
      %dma_wait3A_96 = tpu.memref_slice %arg6[%run_scoped3A_21, %dma_wait3A_94, %dma_wait3A_95] : memref<1x512x128xf32, #tpu.memory_space<vmem>> -> memref<1x512x128xf32, #tpu.memory_space<vmem>>
      %dma_wait3A_97 = tpu.memref_squeeze %dma_wait3A_96 : memref<1x512x128xf32, #tpu.memory_space<vmem>> -> memref<512x128xf32, #tpu.memory_space<vmem>>
      tpu.wait_dma2 semaphore(%run_scoped3A_73 : memref<!tpu.dma_semaphore, #tpu.memory_space<semaphore_mem>>) src(%dma_wait3A_97 : memref<512x128xf32, #tpu.memory_space<vmem>>) dst(%dma_wait3A_93 : memref<512x128xf32, #tpu.memory_space<hbm>>)
      tpu.yield
    }) : () -> ()
    %add3A_22 = arith.constant 2560 : i32
    %add3A_23 = arith.addi %mul3A_2, %add3A_22 : i32
    %run_scoped3A_24 = arith.constant 0 : i32
    "tpu.region"() ({
      %run_scoped3A_73 = tpu.sem_alloc : memref<!tpu.dma_semaphore, #tpu.memory_space<semaphore_mem>>
      %dma_start3A_74 = arith.constant 0 : i32
      %dma_start3A_75 = arith.constant 0 : i32
      %dma_start3A_76 = tpu.memref_slice %arg6[%run_scoped3A_24, %dma_start3A_74, %dma_start3A_75] : memref<1x512x128xf32, #tpu.memory_space<vmem>> -> memref<1x512x128xf32, #tpu.memory_space<vmem>>
      %dma_start3A_77 = tpu.memref_squeeze %dma_start3A_76 : memref<1x512x128xf32, #tpu.memory_space<vmem>> -> memref<512x128xf32, #tpu.memory_space<vmem>>
      %dma_start3A_78 = arith.constant 0 : i32
      %dma_start3A_79 = tpu.memref_slice %arg2[%add3A_23, %dma_start3A_78] : memref<262144x128xf32, #tpu.memory_space<hbm>> -> memref<512x128xf32, #tpu.memory_space<hbm>>
      %dma_start3A_80 = arith.constant 0 : i32
      %dma_start3A_81 = arith.constant 0 : i32
      %dma_start3A_82 = tpu.memref_slice %arg6[%run_scoped3A_24, %dma_start3A_80, %dma_start3A_81] : memref<1x512x128xf32, #tpu.memory_space<vmem>> -> memref<1x512x128xf32, #tpu.memory_space<vmem>>
      %dma_start3A_83 = tpu.memref_squeeze %dma_start3A_82 : memref<1x512x128xf32, #tpu.memory_space<vmem>> -> memref<512x128xf32, #tpu.memory_space<vmem>>
      %dma_start3A_84 = arith.constant 0 : i32
      %dma_start3A_85 = tpu.memref_slice %arg2[%add3A_23, %dma_start3A_84] : memref<262144x128xf32, #tpu.memory_space<hbm>> -> memref<512x128xf32, #tpu.memory_space<hbm>>
      tpu.enqueue_dma source(%dma_start3A_85 : memref<512x128xf32, #tpu.memory_space<hbm>>) target(%dma_start3A_83 : memref<512x128xf32, #tpu.memory_space<vmem>>) target_semaphore(%run_scoped3A_73 : memref<!tpu.dma_semaphore, #tpu.memory_space<semaphore_mem>>)
      %dma_wait3A_86 = arith.constant 0 : i32
      %dma_wait3A_87 = arith.constant 0 : i32
      %dma_wait3A_88 = tpu.memref_slice %arg6[%run_scoped3A_24, %dma_wait3A_86, %dma_wait3A_87] : memref<1x512x128xf32, #tpu.memory_space<vmem>> -> memref<1x512x128xf32, #tpu.memory_space<vmem>>
      %dma_wait3A_89 = tpu.memref_squeeze %dma_wait3A_88 : memref<1x512x128xf32, #tpu.memory_space<vmem>> -> memref<512x128xf32, #tpu.memory_space<vmem>>
      %dma_wait3A_90 = arith.constant 0 : i32
      %dma_wait3A_91 = tpu.memref_slice %arg2[%add3A_23, %dma_wait3A_90] : memref<262144x128xf32, #tpu.memory_space<hbm>> -> memref<512x128xf32, #tpu.memory_space<hbm>>
      %dma_wait3A_92 = arith.constant 0 : i32
      %dma_wait3A_93 = arith.constant 0 : i32
      %dma_wait3A_94 = tpu.memref_slice %arg6[%run_scoped3A_24, %dma_wait3A_92, %dma_wait3A_93] : memref<1x512x128xf32, #tpu.memory_space<vmem>> -> memref<1x512x128xf32, #tpu.memory_space<vmem>>
      %dma_wait3A_95 = tpu.memref_squeeze %dma_wait3A_94 : memref<1x512x128xf32, #tpu.memory_space<vmem>> -> memref<512x128xf32, #tpu.memory_space<vmem>>
      %dma_wait3A_96 = arith.constant 0 : i32
      %dma_wait3A_97 = tpu.memref_slice %arg2[%add3A_23, %dma_wait3A_96] : memref<262144x128xf32, #tpu.memory_space<hbm>> -> memref<512x128xf32, #tpu.memory_space<hbm>>
      tpu.wait_dma2 semaphore(%run_scoped3A_73 : memref<!tpu.dma_semaphore, #tpu.memory_space<semaphore_mem>>) src(%dma_wait3A_97 : memref<512x128xf32, #tpu.memory_space<hbm>>) dst(%dma_wait3A_95 : memref<512x128xf32, #tpu.memory_space<vmem>>)
      tpu.yield
    }) : () -> ()
    %run_scoped3A_25 = arith.constant 0 : i32
    "tpu.region"() ({
      %run_scoped3A_73 = tpu.sem_alloc : memref<!tpu.dma_semaphore, #tpu.memory_space<semaphore_mem>>
      %dma_start3A_74 = arith.constant 0 : i32
      %dma_start3A_75 = arith.constant 0 : i32
      %dma_start3A_76 = tpu.memref_slice %arg6[%run_scoped3A_25, %dma_start3A_74, %dma_start3A_75] : memref<1x512x128xf32, #tpu.memory_space<vmem>> -> memref<1x512x128xf32, #tpu.memory_space<vmem>>
      %dma_start3A_77 = tpu.memref_squeeze %dma_start3A_76 : memref<1x512x128xf32, #tpu.memory_space<vmem>> -> memref<512x128xf32, #tpu.memory_space<vmem>>
      %dma_start3A_78 = arith.constant 0 : i32
      %dma_start3A_79 = tpu.memref_slice %arg5[%add3A_23, %dma_start3A_78] : memref<262144x128xf32, #tpu.memory_space<hbm>> -> memref<512x128xf32, #tpu.memory_space<hbm>>
      %dma_start3A_80 = arith.constant 0 : i32
      %dma_start3A_81 = tpu.memref_slice %arg5[%add3A_23, %dma_start3A_80] : memref<262144x128xf32, #tpu.memory_space<hbm>> -> memref<512x128xf32, #tpu.memory_space<hbm>>
      %dma_start3A_82 = arith.constant 0 : i32
      %dma_start3A_83 = arith.constant 0 : i32
      %dma_start3A_84 = tpu.memref_slice %arg6[%run_scoped3A_25, %dma_start3A_82, %dma_start3A_83] : memref<1x512x128xf32, #tpu.memory_space<vmem>> -> memref<1x512x128xf32, #tpu.memory_space<vmem>>
      %dma_start3A_85 = tpu.memref_squeeze %dma_start3A_84 : memref<1x512x128xf32, #tpu.memory_space<vmem>> -> memref<512x128xf32, #tpu.memory_space<vmem>>
      tpu.enqueue_dma source(%dma_start3A_85 : memref<512x128xf32, #tpu.memory_space<vmem>>) target(%dma_start3A_81 : memref<512x128xf32, #tpu.memory_space<hbm>>) target_semaphore(%run_scoped3A_73 : memref<!tpu.dma_semaphore, #tpu.memory_space<semaphore_mem>>)
      %dma_wait3A_86 = arith.constant 0 : i32
      %dma_wait3A_87 = arith.constant 0 : i32
      %dma_wait3A_88 = tpu.memref_slice %arg6[%run_scoped3A_25, %dma_wait3A_86, %dma_wait3A_87] : memref<1x512x128xf32, #tpu.memory_space<vmem>> -> memref<1x512x128xf32, #tpu.memory_space<vmem>>
      %dma_wait3A_89 = tpu.memref_squeeze %dma_wait3A_88 : memref<1x512x128xf32, #tpu.memory_space<vmem>> -> memref<512x128xf32, #tpu.memory_space<vmem>>
      %dma_wait3A_90 = arith.constant 0 : i32
      %dma_wait3A_91 = tpu.memref_slice %arg5[%add3A_23, %dma_wait3A_90] : memref<262144x128xf32, #tpu.memory_space<hbm>> -> memref<512x128xf32, #tpu.memory_space<hbm>>
      %dma_wait3A_92 = arith.constant 0 : i32
      %dma_wait3A_93 = tpu.memref_slice %arg5[%add3A_23, %dma_wait3A_92] : memref<262144x128xf32, #tpu.memory_space<hbm>> -> memref<512x128xf32, #tpu.memory_space<hbm>>
      %dma_wait3A_94 = arith.constant 0 : i32
      %dma_wait3A_95 = arith.constant 0 : i32
      %dma_wait3A_96 = tpu.memref_slice %arg6[%run_scoped3A_25, %dma_wait3A_94, %dma_wait3A_95] : memref<1x512x128xf32, #tpu.memory_space<vmem>> -> memref<1x512x128xf32, #tpu.memory_space<vmem>>
      %dma_wait3A_97 = tpu.memref_squeeze %dma_wait3A_96 : memref<1x512x128xf32, #tpu.memory_space<vmem>> -> memref<512x128xf32, #tpu.memory_space<vmem>>
      tpu.wait_dma2 semaphore(%run_scoped3A_73 : memref<!tpu.dma_semaphore, #tpu.memory_space<semaphore_mem>>) src(%dma_wait3A_97 : memref<512x128xf32, #tpu.memory_space<vmem>>) dst(%dma_wait3A_93 : memref<512x128xf32, #tpu.memory_space<hbm>>)
      tpu.yield
    }) : () -> ()
    %add3A_26 = arith.constant 3072 : i32
    %add3A_27 = arith.addi %mul3A_2, %add3A_26 : i32
    %run_scoped3A_28 = arith.constant 0 : i32
    "tpu.region"() ({
      %run_scoped3A_73 = tpu.sem_alloc : memref<!tpu.dma_semaphore, #tpu.memory_space<semaphore_mem>>
      %dma_start3A_74 = arith.constant 0 : i32
      %dma_start3A_75 = arith.constant 0 : i32
      %dma_start3A_76 = tpu.memref_slice %arg6[%run_scoped3A_28, %dma_start3A_74, %dma_start3A_75] : memref<1x512x128xf32, #tpu.memory_space<vmem>> -> memref<1x512x128xf32, #tpu.memory_space<vmem>>
      %dma_start3A_77 = tpu.memref_squeeze %dma_start3A_76 : memref<1x512x128xf32, #tpu.memory_space<vmem>> -> memref<512x128xf32, #tpu.memory_space<vmem>>
      %dma_start3A_78 = arith.constant 0 : i32
      %dma_start3A_79 = tpu.memref_slice %arg2[%add3A_27, %dma_start3A_78] : memref<262144x128xf32, #tpu.memory_space<hbm>> -> memref<512x128xf32, #tpu.memory_space<hbm>>
      %dma_start3A_80 = arith.constant 0 : i32
      %dma_start3A_81 = arith.constant 0 : i32
      %dma_start3A_82 = tpu.memref_slice %arg6[%run_scoped3A_28, %dma_start3A_80, %dma_start3A_81] : memref<1x512x128xf32, #tpu.memory_space<vmem>> -> memref<1x512x128xf32, #tpu.memory_space<vmem>>
      %dma_start3A_83 = tpu.memref_squeeze %dma_start3A_82 : memref<1x512x128xf32, #tpu.memory_space<vmem>> -> memref<512x128xf32, #tpu.memory_space<vmem>>
      %dma_start3A_84 = arith.constant 0 : i32
      %dma_start3A_85 = tpu.memref_slice %arg2[%add3A_27, %dma_start3A_84] : memref<262144x128xf32, #tpu.memory_space<hbm>> -> memref<512x128xf32, #tpu.memory_space<hbm>>
      tpu.enqueue_dma source(%dma_start3A_85 : memref<512x128xf32, #tpu.memory_space<hbm>>) target(%dma_start3A_83 : memref<512x128xf32, #tpu.memory_space<vmem>>) target_semaphore(%run_scoped3A_73 : memref<!tpu.dma_semaphore, #tpu.memory_space<semaphore_mem>>)
      %dma_wait3A_86 = arith.constant 0 : i32
      %dma_wait3A_87 = arith.constant 0 : i32
      %dma_wait3A_88 = tpu.memref_slice %arg6[%run_scoped3A_28, %dma_wait3A_86, %dma_wait3A_87] : memref<1x512x128xf32, #tpu.memory_space<vmem>> -> memref<1x512x128xf32, #tpu.memory_space<vmem>>
      %dma_wait3A_89 = tpu.memref_squeeze %dma_wait3A_88 : memref<1x512x128xf32, #tpu.memory_space<vmem>> -> memref<512x128xf32, #tpu.memory_space<vmem>>
      %dma_wait3A_90 = arith.constant 0 : i32
      %dma_wait3A_91 = tpu.memref_slice %arg2[%add3A_27, %dma_wait3A_90] : memref<262144x128xf32, #tpu.memory_space<hbm>> -> memref<512x128xf32, #tpu.memory_space<hbm>>
      %dma_wait3A_92 = arith.constant 0 : i32
      %dma_wait3A_93 = arith.constant 0 : i32
      %dma_wait3A_94 = tpu.memref_slice %arg6[%run_scoped3A_28, %dma_wait3A_92, %dma_wait3A_93] : memref<1x512x128xf32, #tpu.memory_space<vmem>> -> memref<1x512x128xf32, #tpu.memory_space<vmem>>
      %dma_wait3A_95 = tpu.memref_squeeze %dma_wait3A_94 : memref<1x512x128xf32, #tpu.memory_space<vmem>> -> memref<512x128xf32, #tpu.memory_space<vmem>>
      %dma_wait3A_96 = arith.constant 0 : i32
      %dma_wait3A_97 = tpu.memref_slice %arg2[%add3A_27, %dma_wait3A_96] : memref<262144x128xf32, #tpu.memory_space<hbm>> -> memref<512x128xf32, #tpu.memory_space<hbm>>
      tpu.wait_dma2 semaphore(%run_scoped3A_73 : memref<!tpu.dma_semaphore, #tpu.memory_space<semaphore_mem>>) src(%dma_wait3A_97 : memref<512x128xf32, #tpu.memory_space<hbm>>) dst(%dma_wait3A_95 : memref<512x128xf32, #tpu.memory_space<vmem>>)
      tpu.yield
    }) : () -> ()
    %run_scoped3A_29 = arith.constant 0 : i32
    "tpu.region"() ({
      %run_scoped3A_73 = tpu.sem_alloc : memref<!tpu.dma_semaphore, #tpu.memory_space<semaphore_mem>>
      %dma_start3A_74 = arith.constant 0 : i32
      %dma_start3A_75 = arith.constant 0 : i32
      %dma_start3A_76 = tpu.memref_slice %arg6[%run_scoped3A_29, %dma_start3A_74, %dma_start3A_75] : memref<1x512x128xf32, #tpu.memory_space<vmem>> -> memref<1x512x128xf32, #tpu.memory_space<vmem>>
      %dma_start3A_77 = tpu.memref_squeeze %dma_start3A_76 : memref<1x512x128xf32, #tpu.memory_space<vmem>> -> memref<512x128xf32, #tpu.memory_space<vmem>>
      %dma_start3A_78 = arith.constant 0 : i32
      %dma_start3A_79 = tpu.memref_slice %arg5[%add3A_27, %dma_start3A_78] : memref<262144x128xf32, #tpu.memory_space<hbm>> -> memref<512x128xf32, #tpu.memory_space<hbm>>
      %dma_start3A_80 = arith.constant 0 : i32
      %dma_start3A_81 = tpu.memref_slice %arg5[%add3A_27, %dma_start3A_80] : memref<262144x128xf32, #tpu.memory_space<hbm>> -> memref<512x128xf32, #tpu.memory_space<hbm>>
      %dma_start3A_82 = arith.constant 0 : i32
      %dma_start3A_83 = arith.constant 0 : i32
      %dma_start3A_84 = tpu.memref_slice %arg6[%run_scoped3A_29, %dma_start3A_82, %dma_start3A_83] : memref<1x512x128xf32, #tpu.memory_space<vmem>> -> memref<1x512x128xf32, #tpu.memory_space<vmem>>
      %dma_start3A_85 = tpu.memref_squeeze %dma_start3A_84 : memref<1x512x128xf32, #tpu.memory_space<vmem>> -> memref<512x128xf32, #tpu.memory_space<vmem>>
      tpu.enqueue_dma source(%dma_start3A_85 : memref<512x128xf32, #tpu.memory_space<vmem>>) target(%dma_start3A_81 : memref<512x128xf32, #tpu.memory_space<hbm>>) target_semaphore(%run_scoped3A_73 : memref<!tpu.dma_semaphore, #tpu.memory_space<semaphore_mem>>)
      %dma_wait3A_86 = arith.constant 0 : i32
      %dma_wait3A_87 = arith.constant 0 : i32
      %dma_wait3A_88 = tpu.memref_slice %arg6[%run_scoped3A_29, %dma_wait3A_86, %dma_wait3A_87] : memref<1x512x128xf32, #tpu.memory_space<vmem>> -> memref<1x512x128xf32, #tpu.memory_space<vmem>>
      %dma_wait3A_89 = tpu.memref_squeeze %dma_wait3A_88 : memref<1x512x128xf32, #tpu.memory_space<vmem>> -> memref<512x128xf32, #tpu.memory_space<vmem>>
      %dma_wait3A_90 = arith.constant 0 : i32
      %dma_wait3A_91 = tpu.memref_slice %arg5[%add3A_27, %dma_wait3A_90] : memref<262144x128xf32, #tpu.memory_space<hbm>> -> memref<512x128xf32, #tpu.memory_space<hbm>>
      %dma_wait3A_92 = arith.constant 0 : i32
      %dma_wait3A_93 = tpu.memref_slice %arg5[%add3A_27, %dma_wait3A_92] : memref<262144x128xf32, #tpu.memory_space<hbm>> -> memref<512x128xf32, #tpu.memory_space<hbm>>
      %dma_wait3A_94 = arith.constant 0 : i32
      %dma_wait3A_95 = arith.constant 0 : i32
      %dma_wait3A_96 = tpu.memref_slice %arg6[%run_scoped3A_29, %dma_wait3A_94, %dma_wait3A_95] : memref<1x512x128xf32, #tpu.memory_space<vmem>> -> memref<1x512x128xf32, #tpu.memory_space<vmem>>
      %dma_wait3A_97 = tpu.memref_squeeze %dma_wait3A_96 : memref<1x512x128xf32, #tpu.memory_space<vmem>> -> memref<512x128xf32, #tpu.memory_space<vmem>>
      tpu.wait_dma2 semaphore(%run_scoped3A_73 : memref<!tpu.dma_semaphore, #tpu.memory_space<semaphore_mem>>) src(%dma_wait3A_97 : memref<512x128xf32, #tpu.memory_space<vmem>>) dst(%dma_wait3A_93 : memref<512x128xf32, #tpu.memory_space<hbm>>)
      tpu.yield
    }) : () -> ()
    %add3A_30 = arith.constant 3584 : i32
    %add3A_31 = arith.addi %mul3A_2, %add3A_30 : i32
    %run_scoped3A_32 = arith.constant 0 : i32
    "tpu.region"() ({
      %run_scoped3A_73 = tpu.sem_alloc : memref<!tpu.dma_semaphore, #tpu.memory_space<semaphore_mem>>
      %dma_start3A_74 = arith.constant 0 : i32
      %dma_start3A_75 = arith.constant 0 : i32
      %dma_start3A_76 = tpu.memref_slice %arg6[%run_scoped3A_32, %dma_start3A_74, %dma_start3A_75] : memref<1x512x128xf32, #tpu.memory_space<vmem>> -> memref<1x512x128xf32, #tpu.memory_space<vmem>>
      %dma_start3A_77 = tpu.memref_squeeze %dma_start3A_76 : memref<1x512x128xf32, #tpu.memory_space<vmem>> -> memref<512x128xf32, #tpu.memory_space<vmem>>
      %dma_start3A_78 = arith.constant 0 : i32
      %dma_start3A_79 = tpu.memref_slice %arg2[%add3A_31, %dma_start3A_78] : memref<262144x128xf32, #tpu.memory_space<hbm>> -> memref<512x128xf32, #tpu.memory_space<hbm>>
      %dma_start3A_80 = arith.constant 0 : i32
      %dma_start3A_81 = arith.constant 0 : i32
      %dma_start3A_82 = tpu.memref_slice %arg6[%run_scoped3A_32, %dma_start3A_80, %dma_start3A_81] : memref<1x512x128xf32, #tpu.memory_space<vmem>> -> memref<1x512x128xf32, #tpu.memory_space<vmem>>
      %dma_start3A_83 = tpu.memref_squeeze %dma_start3A_82 : memref<1x512x128xf32, #tpu.memory_space<vmem>> -> memref<512x128xf32, #tpu.memory_space<vmem>>
      %dma_start3A_84 = arith.constant 0 : i32
      %dma_start3A_85 = tpu.memref_slice %arg2[%add3A_31, %dma_start3A_84] : memref<262144x128xf32, #tpu.memory_space<hbm>> -> memref<512x128xf32, #tpu.memory_space<hbm>>
      tpu.enqueue_dma source(%dma_start3A_85 : memref<512x128xf32, #tpu.memory_space<hbm>>) target(%dma_start3A_83 : memref<512x128xf32, #tpu.memory_space<vmem>>) target_semaphore(%run_scoped3A_73 : memref<!tpu.dma_semaphore, #tpu.memory_space<semaphore_mem>>)
      %dma_wait3A_86 = arith.constant 0 : i32
      %dma_wait3A_87 = arith.constant 0 : i32
      %dma_wait3A_88 = tpu.memref_slice %arg6[%run_scoped3A_32, %dma_wait3A_86, %dma_wait3A_87] : memref<1x512x128xf32, #tpu.memory_space<vmem>> -> memref<1x512x128xf32, #tpu.memory_space<vmem>>
      %dma_wait3A_89 = tpu.memref_squeeze %dma_wait3A_88 : memref<1x512x128xf32, #tpu.memory_space<vmem>> -> memref<512x128xf32, #tpu.memory_space<vmem>>
      %dma_wait3A_90 = arith.constant 0 : i32
      %dma_wait3A_91 = tpu.memref_slice %arg2[%add3A_31, %dma_wait3A_90] : memref<262144x128xf32, #tpu.memory_space<hbm>> -> memref<512x128xf32, #tpu.memory_space<hbm>>
      %dma_wait3A_92 = arith.constant 0 : i32
      %dma_wait3A_93 = arith.constant 0 : i32
      %dma_wait3A_94 = tpu.memref_slice %arg6[%run_scoped3A_32, %dma_wait3A_92, %dma_wait3A_93] : memref<1x512x128xf32, #tpu.memory_space<vmem>> -> memref<1x512x128xf32, #tpu.memory_space<vmem>>
      %dma_wait3A_95 = tpu.memref_squeeze %dma_wait3A_94 : memref<1x512x128xf32, #tpu.memory_space<vmem>> -> memref<512x128xf32, #tpu.memory_space<vmem>>
      %dma_wait3A_96 = arith.constant 0 : i32
      %dma_wait3A_97 = tpu.memref_slice %arg2[%add3A_31, %dma_wait3A_96] : memref<262144x128xf32, #tpu.memory_space<hbm>> -> memref<512x128xf32, #tpu.memory_space<hbm>>
      tpu.wait_dma2 semaphore(%run_scoped3A_73 : memref<!tpu.dma_semaphore, #tpu.memory_space<semaphore_mem>>) src(%dma_wait3A_97 : memref<512x128xf32, #tpu.memory_space<hbm>>) dst(%dma_wait3A_95 : memref<512x128xf32, #tpu.memory_space<vmem>>)
      tpu.yield
    }) : () -> ()
    %run_scoped3A_33 = arith.constant 0 : i32
    "tpu.region"() ({
      %run_scoped3A_73 = tpu.sem_alloc : memref<!tpu.dma_semaphore, #tpu.memory_space<semaphore_mem>>
      %dma_start3A_74 = arith.constant 0 : i32
      %dma_start3A_75 = arith.constant 0 : i32
      %dma_start3A_76 = tpu.memref_slice %arg6[%run_scoped3A_33, %dma_start3A_74, %dma_start3A_75] : memref<1x512x128xf32, #tpu.memory_space<vmem>> -> memref<1x512x128xf32, #tpu.memory_space<vmem>>
      %dma_start3A_77 = tpu.memref_squeeze %dma_start3A_76 : memref<1x512x128xf32, #tpu.memory_space<vmem>> -> memref<512x128xf32, #tpu.memory_space<vmem>>
      %dma_start3A_78 = arith.constant 0 : i32
      %dma_start3A_79 = tpu.memref_slice %arg5[%add3A_31, %dma_start3A_78] : memref<262144x128xf32, #tpu.memory_space<hbm>> -> memref<512x128xf32, #tpu.memory_space<hbm>>
      %dma_start3A_80 = arith.constant 0 : i32
      %dma_start3A_81 = tpu.memref_slice %arg5[%add3A_31, %dma_start3A_80] : memref<262144x128xf32, #tpu.memory_space<hbm>> -> memref<512x128xf32, #tpu.memory_space<hbm>>
      %dma_start3A_82 = arith.constant 0 : i32
      %dma_start3A_83 = arith.constant 0 : i32
      %dma_start3A_84 = tpu.memref_slice %arg6[%run_scoped3A_33, %dma_start3A_82, %dma_start3A_83] : memref<1x512x128xf32, #tpu.memory_space<vmem>> -> memref<1x512x128xf32, #tpu.memory_space<vmem>>
      %dma_start3A_85 = tpu.memref_squeeze %dma_start3A_84 : memref<1x512x128xf32, #tpu.memory_space<vmem>> -> memref<512x128xf32, #tpu.memory_space<vmem>>
      tpu.enqueue_dma source(%dma_start3A_85 : memref<512x128xf32, #tpu.memory_space<vmem>>) target(%dma_start3A_81 : memref<512x128xf32, #tpu.memory_space<hbm>>) target_semaphore(%run_scoped3A_73 : memref<!tpu.dma_semaphore, #tpu.memory_space<semaphore_mem>>)
      %dma_wait3A_86 = arith.constant 0 : i32
      %dma_wait3A_87 = arith.constant 0 : i32
      %dma_wait3A_88 = tpu.memref_slice %arg6[%run_scoped3A_33, %dma_wait3A_86, %dma_wait3A_87] : memref<1x512x128xf32, #tpu.memory_space<vmem>> -> memref<1x512x128xf32, #tpu.memory_space<vmem>>
      %dma_wait3A_89 = tpu.memref_squeeze %dma_wait3A_88 : memref<1x512x128xf32, #tpu.memory_space<vmem>> -> memref<512x128xf32, #tpu.memory_space<vmem>>
      %dma_wait3A_90 = arith.constant 0 : i32
      %dma_wait3A_91 = tpu.memref_slice %arg5[%add3A_31, %dma_wait3A_90] : memref<262144x128xf32, #tpu.memory_space<hbm>> -> memref<512x128xf32, #tpu.memory_space<hbm>>
      %dma_wait3A_92 = arith.constant 0 : i32
      %dma_wait3A_93 = tpu.memref_slice %arg5[%add3A_31, %dma_wait3A_92] : memref<262144x128xf32, #tpu.memory_space<hbm>> -> memref<512x128xf32, #tpu.memory_space<hbm>>
      %dma_wait3A_94 = arith.constant 0 : i32
      %dma_wait3A_95 = arith.constant 0 : i32
      %dma_wait3A_96 = tpu.memref_slice %arg6[%run_scoped3A_33, %dma_wait3A_94, %dma_wait3A_95] : memref<1x512x128xf32, #tpu.memory_space<vmem>> -> memref<1x512x128xf32, #tpu.memory_space<vmem>>
      %dma_wait3A_97 = tpu.memref_squeeze %dma_wait3A_96 : memref<1x512x128xf32, #tpu.memory_space<vmem>> -> memref<512x128xf32, #tpu.memory_space<vmem>>
      tpu.wait_dma2 semaphore(%run_scoped3A_73 : memref<!tpu.dma_semaphore, #tpu.memory_space<semaphore_mem>>) src(%dma_wait3A_97 : memref<512x128xf32, #tpu.memory_space<vmem>>) dst(%dma_wait3A_93 : memref<512x128xf32, #tpu.memory_space<hbm>>)
      tpu.yield
    }) : () -> ()
    %add3A_34 = arith.constant 4096 : i32
    %add3A_35 = arith.addi %mul3A_2, %add3A_34 : i32
    %run_scoped3A_36 = arith.constant 0 : i32
    "tpu.region"() ({
      %run_scoped3A_73 = tpu.sem_alloc : memref<!tpu.dma_semaphore, #tpu.memory_space<semaphore_mem>>
      %dma_start3A_74 = arith.constant 0 : i32
      %dma_start3A_75 = arith.constant 0 : i32
      %dma_start3A_76 = tpu.memref_slice %arg6[%run_scoped3A_36, %dma_start3A_74, %dma_start3A_75] : memref<1x512x128xf32, #tpu.memory_space<vmem>> -> memref<1x512x128xf32, #tpu.memory_space<vmem>>
      %dma_start3A_77 = tpu.memref_squeeze %dma_start3A_76 : memref<1x512x128xf32, #tpu.memory_space<vmem>> -> memref<512x128xf32, #tpu.memory_space<vmem>>
      %dma_start3A_78 = arith.constant 0 : i32
      %dma_start3A_79 = tpu.memref_slice %arg2[%add3A_35, %dma_start3A_78] : memref<262144x128xf32, #tpu.memory_space<hbm>> -> memref<512x128xf32, #tpu.memory_space<hbm>>
      %dma_start3A_80 = arith.constant 0 : i32
      %dma_start3A_81 = arith.constant 0 : i32
      %dma_start3A_82 = tpu.memref_slice %arg6[%run_scoped3A_36, %dma_start3A_80, %dma_start3A_81] : memref<1x512x128xf32, #tpu.memory_space<vmem>> -> memref<1x512x128xf32, #tpu.memory_space<vmem>>
      %dma_start3A_83 = tpu.memref_squeeze %dma_start3A_82 : memref<1x512x128xf32, #tpu.memory_space<vmem>> -> memref<512x128xf32, #tpu.memory_space<vmem>>
      %dma_start3A_84 = arith.constant 0 : i32
      %dma_start3A_85 = tpu.memref_slice %arg2[%add3A_35, %dma_start3A_84] : memref<262144x128xf32, #tpu.memory_space<hbm>> -> memref<512x128xf32, #tpu.memory_space<hbm>>
      tpu.enqueue_dma source(%dma_start3A_85 : memref<512x128xf32, #tpu.memory_space<hbm>>) target(%dma_start3A_83 : memref<512x128xf32, #tpu.memory_space<vmem>>) target_semaphore(%run_scoped3A_73 : memref<!tpu.dma_semaphore, #tpu.memory_space<semaphore_mem>>)
      %dma_wait3A_86 = arith.constant 0 : i32
      %dma_wait3A_87 = arith.constant 0 : i32
      %dma_wait3A_88 = tpu.memref_slice %arg6[%run_scoped3A_36, %dma_wait3A_86, %dma_wait3A_87] : memref<1x512x128xf32, #tpu.memory_space<vmem>> -> memref<1x512x128xf32, #tpu.memory_space<vmem>>
      %dma_wait3A_89 = tpu.memref_squeeze %dma_wait3A_88 : memref<1x512x128xf32, #tpu.memory_space<vmem>> -> memref<512x128xf32, #tpu.memory_space<vmem>>
      %dma_wait3A_90 = arith.constant 0 : i32
      %dma_wait3A_91 = tpu.memref_slice %arg2[%add3A_35, %dma_wait3A_90] : memref<262144x128xf32, #tpu.memory_space<hbm>> -> memref<512x128xf32, #tpu.memory_space<hbm>>
      %dma_wait3A_92 = arith.constant 0 : i32
      %dma_wait3A_93 = arith.constant 0 : i32
      %dma_wait3A_94 = tpu.memref_slice %arg6[%run_scoped3A_36, %dma_wait3A_92, %dma_wait3A_93] : memref<1x512x128xf32, #tpu.memory_space<vmem>> -> memref<1x512x128xf32, #tpu.memory_space<vmem>>
      %dma_wait3A_95 = tpu.memref_squeeze %dma_wait3A_94 : memref<1x512x128xf32, #tpu.memory_space<vmem>> -> memref<512x128xf32, #tpu.memory_space<vmem>>
      %dma_wait3A_96 = arith.constant 0 : i32
      %dma_wait3A_97 = tpu.memref_slice %arg2[%add3A_35, %dma_wait3A_96] : memref<262144x128xf32, #tpu.memory_space<hbm>> -> memref<512x128xf32, #tpu.memory_space<hbm>>
      tpu.wait_dma2 semaphore(%run_scoped3A_73 : memref<!tpu.dma_semaphore, #tpu.memory_space<semaphore_mem>>) src(%dma_wait3A_97 : memref<512x128xf32, #tpu.memory_space<hbm>>) dst(%dma_wait3A_95 : memref<512x128xf32, #tpu.memory_space<vmem>>)
      tpu.yield
    }) : () -> ()
    %run_scoped3A_37 = arith.constant 0 : i32
    "tpu.region"() ({
      %run_scoped3A_73 = tpu.sem_alloc : memref<!tpu.dma_semaphore, #tpu.memory_space<semaphore_mem>>
      %dma_start3A_74 = arith.constant 0 : i32
      %dma_start3A_75 = arith.constant 0 : i32
      %dma_start3A_76 = tpu.memref_slice %arg6[%run_scoped3A_37, %dma_start3A_74, %dma_start3A_75] : memref<1x512x128xf32, #tpu.memory_space<vmem>> -> memref<1x512x128xf32, #tpu.memory_space<vmem>>
      %dma_start3A_77 = tpu.memref_squeeze %dma_start3A_76 : memref<1x512x128xf32, #tpu.memory_space<vmem>> -> memref<512x128xf32, #tpu.memory_space<vmem>>
      %dma_start3A_78 = arith.constant 0 : i32
      %dma_start3A_79 = tpu.memref_slice %arg5[%add3A_35, %dma_start3A_78] : memref<262144x128xf32, #tpu.memory_space<hbm>> -> memref<512x128xf32, #tpu.memory_space<hbm>>
      %dma_start3A_80 = arith.constant 0 : i32
      %dma_start3A_81 = tpu.memref_slice %arg5[%add3A_35, %dma_start3A_80] : memref<262144x128xf32, #tpu.memory_space<hbm>> -> memref<512x128xf32, #tpu.memory_space<hbm>>
      %dma_start3A_82 = arith.constant 0 : i32
      %dma_start3A_83 = arith.constant 0 : i32
      %dma_start3A_84 = tpu.memref_slice %arg6[%run_scoped3A_37, %dma_start3A_82, %dma_start3A_83] : memref<1x512x128xf32, #tpu.memory_space<vmem>> -> memref<1x512x128xf32, #tpu.memory_space<vmem>>
      %dma_start3A_85 = tpu.memref_squeeze %dma_start3A_84 : memref<1x512x128xf32, #tpu.memory_space<vmem>> -> memref<512x128xf32, #tpu.memory_space<vmem>>
      tpu.enqueue_dma source(%dma_start3A_85 : memref<512x128xf32, #tpu.memory_space<vmem>>) target(%dma_start3A_81 : memref<512x128xf32, #tpu.memory_space<hbm>>) target_semaphore(%run_scoped3A_73 : memref<!tpu.dma_semaphore, #tpu.memory_space<semaphore_mem>>)
      %dma_wait3A_86 = arith.constant 0 : i32
      %dma_wait3A_87 = arith.constant 0 : i32
      %dma_wait3A_88 = tpu.memref_slice %arg6[%run_scoped3A_37, %dma_wait3A_86, %dma_wait3A_87] : memref<1x512x128xf32, #tpu.memory_space<vmem>> -> memref<1x512x128xf32, #tpu.memory_space<vmem>>
      %dma_wait3A_89 = tpu.memref_squeeze %dma_wait3A_88 : memref<1x512x128xf32, #tpu.memory_space<vmem>> -> memref<512x128xf32, #tpu.memory_space<vmem>>
      %dma_wait3A_90 = arith.constant 0 : i32
      %dma_wait3A_91 = tpu.memref_slice %arg5[%add3A_35, %dma_wait3A_90] : memref<262144x128xf32, #tpu.memory_space<hbm>> -> memref<512x128xf32, #tpu.memory_space<hbm>>
      %dma_wait3A_92 = arith.constant 0 : i32
      %dma_wait3A_93 = tpu.memref_slice %arg5[%add3A_35, %dma_wait3A_92] : memref<262144x128xf32, #tpu.memory_space<hbm>> -> memref<512x128xf32, #tpu.memory_space<hbm>>
      %dma_wait3A_94 = arith.constant 0 : i32
      %dma_wait3A_95 = arith.constant 0 : i32
      %dma_wait3A_96 = tpu.memref_slice %arg6[%run_scoped3A_37, %dma_wait3A_94, %dma_wait3A_95] : memref<1x512x128xf32, #tpu.memory_space<vmem>> -> memref<1x512x128xf32, #tpu.memory_space<vmem>>
      %dma_wait3A_97 = tpu.memref_squeeze %dma_wait3A_96 : memref<1x512x128xf32, #tpu.memory_space<vmem>> -> memref<512x128xf32, #tpu.memory_space<vmem>>
      tpu.wait_dma2 semaphore(%run_scoped3A_73 : memref<!tpu.dma_semaphore, #tpu.memory_space<semaphore_mem>>) src(%dma_wait3A_97 : memref<512x128xf32, #tpu.memory_space<vmem>>) dst(%dma_wait3A_93 : memref<512x128xf32, #tpu.memory_space<hbm>>)
      tpu.yield
    }) : () -> ()
    %add3A_38 = arith.constant 4608 : i32
    %add3A_39 = arith.addi %mul3A_2, %add3A_38 : i32
    %run_scoped3A_40 = arith.constant 0 : i32
    "tpu.region"() ({
      %run_scoped3A_73 = tpu.sem_alloc : memref<!tpu.dma_semaphore, #tpu.memory_space<semaphore_mem>>
      %dma_start3A_74 = arith.constant 0 : i32
      %dma_start3A_75 = arith.constant 0 : i32
      %dma_start3A_76 = tpu.memref_slice %arg6[%run_scoped3A_40, %dma_start3A_74, %dma_start3A_75] : memref<1x512x128xf32, #tpu.memory_space<vmem>> -> memref<1x512x128xf32, #tpu.memory_space<vmem>>
      %dma_start3A_77 = tpu.memref_squeeze %dma_start3A_76 : memref<1x512x128xf32, #tpu.memory_space<vmem>> -> memref<512x128xf32, #tpu.memory_space<vmem>>
      %dma_start3A_78 = arith.constant 0 : i32
      %dma_start3A_79 = tpu.memref_slice %arg2[%add3A_39, %dma_start3A_78] : memref<262144x128xf32, #tpu.memory_space<hbm>> -> memref<512x128xf32, #tpu.memory_space<hbm>>
      %dma_start3A_80 = arith.constant 0 : i32
      %dma_start3A_81 = arith.constant 0 : i32
      %dma_start3A_82 = tpu.memref_slice %arg6[%run_scoped3A_40, %dma_start3A_80, %dma_start3A_81] : memref<1x512x128xf32, #tpu.memory_space<vmem>> -> memref<1x512x128xf32, #tpu.memory_space<vmem>>
      %dma_start3A_83 = tpu.memref_squeeze %dma_start3A_82 : memref<1x512x128xf32, #tpu.memory_space<vmem>> -> memref<512x128xf32, #tpu.memory_space<vmem>>
      %dma_start3A_84 = arith.constant 0 : i32
      %dma_start3A_85 = tpu.memref_slice %arg2[%add3A_39, %dma_start3A_84] : memref<262144x128xf32, #tpu.memory_space<hbm>> -> memref<512x128xf32, #tpu.memory_space<hbm>>
      tpu.enqueue_dma source(%dma_start3A_85 : memref<512x128xf32, #tpu.memory_space<hbm>>) target(%dma_start3A_83 : memref<512x128xf32, #tpu.memory_space<vmem>>) target_semaphore(%run_scoped3A_73 : memref<!tpu.dma_semaphore, #tpu.memory_space<semaphore_mem>>)
      %dma_wait3A_86 = arith.constant 0 : i32
      %dma_wait3A_87 = arith.constant 0 : i32
      %dma_wait3A_88 = tpu.memref_slice %arg6[%run_scoped3A_40, %dma_wait3A_86, %dma_wait3A_87] : memref<1x512x128xf32, #tpu.memory_space<vmem>> -> memref<1x512x128xf32, #tpu.memory_space<vmem>>
      %dma_wait3A_89 = tpu.memref_squeeze %dma_wait3A_88 : memref<1x512x128xf32, #tpu.memory_space<vmem>> -> memref<512x128xf32, #tpu.memory_space<vmem>>
      %dma_wait3A_90 = arith.constant 0 : i32
      %dma_wait3A_91 = tpu.memref_slice %arg2[%add3A_39, %dma_wait3A_90] : memref<262144x128xf32, #tpu.memory_space<hbm>> -> memref<512x128xf32, #tpu.memory_space<hbm>>
      %dma_wait3A_92 = arith.constant 0 : i32
      %dma_wait3A_93 = arith.constant 0 : i32
      %dma_wait3A_94 = tpu.memref_slice %arg6[%run_scoped3A_40, %dma_wait3A_92, %dma_wait3A_93] : memref<1x512x128xf32, #tpu.memory_space<vmem>> -> memref<1x512x128xf32, #tpu.memory_space<vmem>>
      %dma_wait3A_95 = tpu.memref_squeeze %dma_wait3A_94 : memref<1x512x128xf32, #tpu.memory_space<vmem>> -> memref<512x128xf32, #tpu.memory_space<vmem>>
      %dma_wait3A_96 = arith.constant 0 : i32
      %dma_wait3A_97 = tpu.memref_slice %arg2[%add3A_39, %dma_wait3A_96] : memref<262144x128xf32, #tpu.memory_space<hbm>> -> memref<512x128xf32, #tpu.memory_space<hbm>>
      tpu.wait_dma2 semaphore(%run_scoped3A_73 : memref<!tpu.dma_semaphore, #tpu.memory_space<semaphore_mem>>) src(%dma_wait3A_97 : memref<512x128xf32, #tpu.memory_space<hbm>>) dst(%dma_wait3A_95 : memref<512x128xf32, #tpu.memory_space<vmem>>)
      tpu.yield
    }) : () -> ()
    %run_scoped3A_41 = arith.constant 0 : i32
    "tpu.region"() ({
      %run_scoped3A_73 = tpu.sem_alloc : memref<!tpu.dma_semaphore, #tpu.memory_space<semaphore_mem>>
      %dma_start3A_74 = arith.constant 0 : i32
      %dma_start3A_75 = arith.constant 0 : i32
      %dma_start3A_76 = tpu.memref_slice %arg6[%run_scoped3A_41, %dma_start3A_74, %dma_start3A_75] : memref<1x512x128xf32, #tpu.memory_space<vmem>> -> memref<1x512x128xf32, #tpu.memory_space<vmem>>
      %dma_start3A_77 = tpu.memref_squeeze %dma_start3A_76 : memref<1x512x128xf32, #tpu.memory_space<vmem>> -> memref<512x128xf32, #tpu.memory_space<vmem>>
      %dma_start3A_78 = arith.constant 0 : i32
      %dma_start3A_79 = tpu.memref_slice %arg5[%add3A_39, %dma_start3A_78] : memref<262144x128xf32, #tpu.memory_space<hbm>> -> memref<512x128xf32, #tpu.memory_space<hbm>>
      %dma_start3A_80 = arith.constant 0 : i32
      %dma_start3A_81 = tpu.memref_slice %arg5[%add3A_39, %dma_start3A_80] : memref<262144x128xf32, #tpu.memory_space<hbm>> -> memref<512x128xf32, #tpu.memory_space<hbm>>
      %dma_start3A_82 = arith.constant 0 : i32
      %dma_start3A_83 = arith.constant 0 : i32
      %dma_start3A_84 = tpu.memref_slice %arg6[%run_scoped3A_41, %dma_start3A_82, %dma_start3A_83] : memref<1x512x128xf32, #tpu.memory_space<vmem>> -> memref<1x512x128xf32, #tpu.memory_space<vmem>>
      %dma_start3A_85 = tpu.memref_squeeze %dma_start3A_84 : memref<1x512x128xf32, #tpu.memory_space<vmem>> -> memref<512x128xf32, #tpu.memory_space<vmem>>
      tpu.enqueue_dma source(%dma_start3A_85 : memref<512x128xf32, #tpu.memory_space<vmem>>) target(%dma_start3A_81 : memref<512x128xf32, #tpu.memory_space<hbm>>) target_semaphore(%run_scoped3A_73 : memref<!tpu.dma_semaphore, #tpu.memory_space<semaphore_mem>>)
      %dma_wait3A_86 = arith.constant 0 : i32
      %dma_wait3A_87 = arith.constant 0 : i32
      %dma_wait3A_88 = tpu.memref_slice %arg6[%run_scoped3A_41, %dma_wait3A_86, %dma_wait3A_87] : memref<1x512x128xf32, #tpu.memory_space<vmem>> -> memref<1x512x128xf32, #tpu.memory_space<vmem>>
      %dma_wait3A_89 = tpu.memref_squeeze %dma_wait3A_88 : memref<1x512x128xf32, #tpu.memory_space<vmem>> -> memref<512x128xf32, #tpu.memory_space<vmem>>
      %dma_wait3A_90 = arith.constant 0 : i32
      %dma_wait3A_91 = tpu.memref_slice %arg5[%add3A_39, %dma_wait3A_90] : memref<262144x128xf32, #tpu.memory_space<hbm>> -> memref<512x128xf32, #tpu.memory_space<hbm>>
      %dma_wait3A_92 = arith.constant 0 : i32
      %dma_wait3A_93 = tpu.memref_slice %arg5[%add3A_39, %dma_wait3A_92] : memref<262144x128xf32, #tpu.memory_space<hbm>> -> memref<512x128xf32, #tpu.memory_space<hbm>>
      %dma_wait3A_94 = arith.constant 0 : i32
      %dma_wait3A_95 = arith.constant 0 : i32
      %dma_wait3A_96 = tpu.memref_slice %arg6[%run_scoped3A_41, %dma_wait3A_94, %dma_wait3A_95] : memref<1x512x128xf32, #tpu.memory_space<vmem>> -> memref<1x512x128xf32, #tpu.memory_space<vmem>>
      %dma_wait3A_97 = tpu.memref_squeeze %dma_wait3A_96 : memref<1x512x128xf32, #tpu.memory_space<vmem>> -> memref<512x128xf32, #tpu.memory_space<vmem>>
      tpu.wait_dma2 semaphore(%run_scoped3A_73 : memref<!tpu.dma_semaphore, #tpu.memory_space<semaphore_mem>>) src(%dma_wait3A_97 : memref<512x128xf32, #tpu.memory_space<vmem>>) dst(%dma_wait3A_93 : memref<512x128xf32, #tpu.memory_space<hbm>>)
      tpu.yield
    }) : () -> ()
    %add3A_42 = arith.constant 5120 : i32
    %add3A_43 = arith.addi %mul3A_2, %add3A_42 : i32
    %run_scoped3A_44 = arith.constant 0 : i32
    "tpu.region"() ({
      %run_scoped3A_73 = tpu.sem_alloc : memref<!tpu.dma_semaphore, #tpu.memory_space<semaphore_mem>>
      %dma_start3A_74 = arith.constant 0 : i32
      %dma_start3A_75 = arith.constant 0 : i32
      %dma_start3A_76 = tpu.memref_slice %arg6[%run_scoped3A_44, %dma_start3A_74, %dma_start3A_75] : memref<1x512x128xf32, #tpu.memory_space<vmem>> -> memref<1x512x128xf32, #tpu.memory_space<vmem>>
      %dma_start3A_77 = tpu.memref_squeeze %dma_start3A_76 : memref<1x512x128xf32, #tpu.memory_space<vmem>> -> memref<512x128xf32, #tpu.memory_space<vmem>>
      %dma_start3A_78 = arith.constant 0 : i32
      %dma_start3A_79 = tpu.memref_slice %arg2[%add3A_43, %dma_start3A_78] : memref<262144x128xf32, #tpu.memory_space<hbm>> -> memref<512x128xf32, #tpu.memory_space<hbm>>
      %dma_start3A_80 = arith.constant 0 : i32
      %dma_start3A_81 = arith.constant 0 : i32
      %dma_start3A_82 = tpu.memref_slice %arg6[%run_scoped3A_44, %dma_start3A_80, %dma_start3A_81] : memref<1x512x128xf32, #tpu.memory_space<vmem>> -> memref<1x512x128xf32, #tpu.memory_space<vmem>>
      %dma_start3A_83 = tpu.memref_squeeze %dma_start3A_82 : memref<1x512x128xf32, #tpu.memory_space<vmem>> -> memref<512x128xf32, #tpu.memory_space<vmem>>
      %dma_start3A_84 = arith.constant 0 : i32
      %dma_start3A_85 = tpu.memref_slice %arg2[%add3A_43, %dma_start3A_84] : memref<262144x128xf32, #tpu.memory_space<hbm>> -> memref<512x128xf32, #tpu.memory_space<hbm>>
      tpu.enqueue_dma source(%dma_start3A_85 : memref<512x128xf32, #tpu.memory_space<hbm>>) target(%dma_start3A_83 : memref<512x128xf32, #tpu.memory_space<vmem>>) target_semaphore(%run_scoped3A_73 : memref<!tpu.dma_semaphore, #tpu.memory_space<semaphore_mem>>)
      %dma_wait3A_86 = arith.constant 0 : i32
      %dma_wait3A_87 = arith.constant 0 : i32
      %dma_wait3A_88 = tpu.memref_slice %arg6[%run_scoped3A_44, %dma_wait3A_86, %dma_wait3A_87] : memref<1x512x128xf32, #tpu.memory_space<vmem>> -> memref<1x512x128xf32, #tpu.memory_space<vmem>>
      %dma_wait3A_89 = tpu.memref_squeeze %dma_wait3A_88 : memref<1x512x128xf32, #tpu.memory_space<vmem>> -> memref<512x128xf32, #tpu.memory_space<vmem>>
      %dma_wait3A_90 = arith.constant 0 : i32
      %dma_wait3A_91 = tpu.memref_slice %arg2[%add3A_43, %dma_wait3A_90] : memref<262144x128xf32, #tpu.memory_space<hbm>> -> memref<512x128xf32, #tpu.memory_space<hbm>>
      %dma_wait3A_92 = arith.constant 0 : i32
      %dma_wait3A_93 = arith.constant 0 : i32
      %dma_wait3A_94 = tpu.memref_slice %arg6[%run_scoped3A_44, %dma_wait3A_92, %dma_wait3A_93] : memref<1x512x128xf32, #tpu.memory_space<vmem>> -> memref<1x512x128xf32, #tpu.memory_space<vmem>>
      %dma_wait3A_95 = tpu.memref_squeeze %dma_wait3A_94 : memref<1x512x128xf32, #tpu.memory_space<vmem>> -> memref<512x128xf32, #tpu.memory_space<vmem>>
      %dma_wait3A_96 = arith.constant 0 : i32
      %dma_wait3A_97 = tpu.memref_slice %arg2[%add3A_43, %dma_wait3A_96] : memref<262144x128xf32, #tpu.memory_space<hbm>> -> memref<512x128xf32, #tpu.memory_space<hbm>>
      tpu.wait_dma2 semaphore(%run_scoped3A_73 : memref<!tpu.dma_semaphore, #tpu.memory_space<semaphore_mem>>) src(%dma_wait3A_97 : memref<512x128xf32, #tpu.memory_space<hbm>>) dst(%dma_wait3A_95 : memref<512x128xf32, #tpu.memory_space<vmem>>)
      tpu.yield
    }) : () -> ()
    %run_scoped3A_45 = arith.constant 0 : i32
    "tpu.region"() ({
      %run_scoped3A_73 = tpu.sem_alloc : memref<!tpu.dma_semaphore, #tpu.memory_space<semaphore_mem>>
      %dma_start3A_74 = arith.constant 0 : i32
      %dma_start3A_75 = arith.constant 0 : i32
      %dma_start3A_76 = tpu.memref_slice %arg6[%run_scoped3A_45, %dma_start3A_74, %dma_start3A_75] : memref<1x512x128xf32, #tpu.memory_space<vmem>> -> memref<1x512x128xf32, #tpu.memory_space<vmem>>
      %dma_start3A_77 = tpu.memref_squeeze %dma_start3A_76 : memref<1x512x128xf32, #tpu.memory_space<vmem>> -> memref<512x128xf32, #tpu.memory_space<vmem>>
      %dma_start3A_78 = arith.constant 0 : i32
      %dma_start3A_79 = tpu.memref_slice %arg5[%add3A_43, %dma_start3A_78] : memref<262144x128xf32, #tpu.memory_space<hbm>> -> memref<512x128xf32, #tpu.memory_space<hbm>>
      %dma_start3A_80 = arith.constant 0 : i32
      %dma_start3A_81 = tpu.memref_slice %arg5[%add3A_43, %dma_start3A_80] : memref<262144x128xf32, #tpu.memory_space<hbm>> -> memref<512x128xf32, #tpu.memory_space<hbm>>
      %dma_start3A_82 = arith.constant 0 : i32
      %dma_start3A_83 = arith.constant 0 : i32
      %dma_start3A_84 = tpu.memref_slice %arg6[%run_scoped3A_45, %dma_start3A_82, %dma_start3A_83] : memref<1x512x128xf32, #tpu.memory_space<vmem>> -> memref<1x512x128xf32, #tpu.memory_space<vmem>>
      %dma_start3A_85 = tpu.memref_squeeze %dma_start3A_84 : memref<1x512x128xf32, #tpu.memory_space<vmem>> -> memref<512x128xf32, #tpu.memory_space<vmem>>
      tpu.enqueue_dma source(%dma_start3A_85 : memref<512x128xf32, #tpu.memory_space<vmem>>) target(%dma_start3A_81 : memref<512x128xf32, #tpu.memory_space<hbm>>) target_semaphore(%run_scoped3A_73 : memref<!tpu.dma_semaphore, #tpu.memory_space<semaphore_mem>>)
      %dma_wait3A_86 = arith.constant 0 : i32
      %dma_wait3A_87 = arith.constant 0 : i32
      %dma_wait3A_88 = tpu.memref_slice %arg6[%run_scoped3A_45, %dma_wait3A_86, %dma_wait3A_87] : memref<1x512x128xf32, #tpu.memory_space<vmem>> -> memref<1x512x128xf32, #tpu.memory_space<vmem>>
      %dma_wait3A_89 = tpu.memref_squeeze %dma_wait3A_88 : memref<1x512x128xf32, #tpu.memory_space<vmem>> -> memref<512x128xf32, #tpu.memory_space<vmem>>
      %dma_wait3A_90 = arith.constant 0 : i32
      %dma_wait3A_91 = tpu.memref_slice %arg5[%add3A_43, %dma_wait3A_90] : memref<262144x128xf32, #tpu.memory_space<hbm>> -> memref<512x128xf32, #tpu.memory_space<hbm>>
      %dma_wait3A_92 = arith.constant 0 : i32
      %dma_wait3A_93 = tpu.memref_slice %arg5[%add3A_43, %dma_wait3A_92] : memref<262144x128xf32, #tpu.memory_space<hbm>> -> memref<512x128xf32, #tpu.memory_space<hbm>>
      %dma_wait3A_94 = arith.constant 0 : i32
      %dma_wait3A_95 = arith.constant 0 : i32
      %dma_wait3A_96 = tpu.memref_slice %arg6[%run_scoped3A_45, %dma_wait3A_94, %dma_wait3A_95] : memref<1x512x128xf32, #tpu.memory_space<vmem>> -> memref<1x512x128xf32, #tpu.memory_space<vmem>>
      %dma_wait3A_97 = tpu.memref_squeeze %dma_wait3A_96 : memref<1x512x128xf32, #tpu.memory_space<vmem>> -> memref<512x128xf32, #tpu.memory_space<vmem>>
      tpu.wait_dma2 semaphore(%run_scoped3A_73 : memref<!tpu.dma_semaphore, #tpu.memory_space<semaphore_mem>>) src(%dma_wait3A_97 : memref<512x128xf32, #tpu.memory_space<vmem>>) dst(%dma_wait3A_93 : memref<512x128xf32, #tpu.memory_space<hbm>>)
      tpu.yield
    }) : () -> ()
    %add3A_46 = arith.constant 5632 : i32
    %add3A_47 = arith.addi %mul3A_2, %add3A_46 : i32
    %run_scoped3A_48 = arith.constant 0 : i32
    "tpu.region"() ({
      %run_scoped3A_73 = tpu.sem_alloc : memref<!tpu.dma_semaphore, #tpu.memory_space<semaphore_mem>>
      %dma_start3A_74 = arith.constant 0 : i32
      %dma_start3A_75 = arith.constant 0 : i32
      %dma_start3A_76 = tpu.memref_slice %arg6[%run_scoped3A_48, %dma_start3A_74, %dma_start3A_75] : memref<1x512x128xf32, #tpu.memory_space<vmem>> -> memref<1x512x128xf32, #tpu.memory_space<vmem>>
      %dma_start3A_77 = tpu.memref_squeeze %dma_start3A_76 : memref<1x512x128xf32, #tpu.memory_space<vmem>> -> memref<512x128xf32, #tpu.memory_space<vmem>>
      %dma_start3A_78 = arith.constant 0 : i32
      %dma_start3A_79 = tpu.memref_slice %arg2[%add3A_47, %dma_start3A_78] : memref<262144x128xf32, #tpu.memory_space<hbm>> -> memref<512x128xf32, #tpu.memory_space<hbm>>
      %dma_start3A_80 = arith.constant 0 : i32
      %dma_start3A_81 = arith.constant 0 : i32
      %dma_start3A_82 = tpu.memref_slice %arg6[%run_scoped3A_48, %dma_start3A_80, %dma_start3A_81] : memref<1x512x128xf32, #tpu.memory_space<vmem>> -> memref<1x512x128xf32, #tpu.memory_space<vmem>>
      %dma_start3A_83 = tpu.memref_squeeze %dma_start3A_82 : memref<1x512x128xf32, #tpu.memory_space<vmem>> -> memref<512x128xf32, #tpu.memory_space<vmem>>
      %dma_start3A_84 = arith.constant 0 : i32
      %dma_start3A_85 = tpu.memref_slice %arg2[%add3A_47, %dma_start3A_84] : memref<262144x128xf32, #tpu.memory_space<hbm>> -> memref<512x128xf32, #tpu.memory_space<hbm>>
      tpu.enqueue_dma source(%dma_start3A_85 : memref<512x128xf32, #tpu.memory_space<hbm>>) target(%dma_start3A_83 : memref<512x128xf32, #tpu.memory_space<vmem>>) target_semaphore(%run_scoped3A_73 : memref<!tpu.dma_semaphore, #tpu.memory_space<semaphore_mem>>)
      %dma_wait3A_86 = arith.constant 0 : i32
      %dma_wait3A_87 = arith.constant 0 : i32
      %dma_wait3A_88 = tpu.memref_slice %arg6[%run_scoped3A_48, %dma_wait3A_86, %dma_wait3A_87] : memref<1x512x128xf32, #tpu.memory_space<vmem>> -> memref<1x512x128xf32, #tpu.memory_space<vmem>>
      %dma_wait3A_89 = tpu.memref_squeeze %dma_wait3A_88 : memref<1x512x128xf32, #tpu.memory_space<vmem>> -> memref<512x128xf32, #tpu.memory_space<vmem>>
      %dma_wait3A_90 = arith.constant 0 : i32
      %dma_wait3A_91 = tpu.memref_slice %arg2[%add3A_47, %dma_wait3A_90] : memref<262144x128xf32, #tpu.memory_space<hbm>> -> memref<512x128xf32, #tpu.memory_space<hbm>>
      %dma_wait3A_92 = arith.constant 0 : i32
      %dma_wait3A_93 = arith.constant 0 : i32
      %dma_wait3A_94 = tpu.memref_slice %arg6[%run_scoped3A_48, %dma_wait3A_92, %dma_wait3A_93] : memref<1x512x128xf32, #tpu.memory_space<vmem>> -> memref<1x512x128xf32, #tpu.memory_space<vmem>>
      %dma_wait3A_95 = tpu.memref_squeeze %dma_wait3A_94 : memref<1x512x128xf32, #tpu.memory_space<vmem>> -> memref<512x128xf32, #tpu.memory_space<vmem>>
      %dma_wait3A_96 = arith.constant 0 : i32
      %dma_wait3A_97 = tpu.memref_slice %arg2[%add3A_47, %dma_wait3A_96] : memref<262144x128xf32, #tpu.memory_space<hbm>> -> memref<512x128xf32, #tpu.memory_space<hbm>>
      tpu.wait_dma2 semaphore(%run_scoped3A_73 : memref<!tpu.dma_semaphore, #tpu.memory_space<semaphore_mem>>) src(%dma_wait3A_97 : memref<512x128xf32, #tpu.memory_space<hbm>>) dst(%dma_wait3A_95 : memref<512x128xf32, #tpu.memory_space<vmem>>)
      tpu.yield
    }) : () -> ()
    %run_scoped3A_49 = arith.constant 0 : i32
    "tpu.region"() ({
      %run_scoped3A_73 = tpu.sem_alloc : memref<!tpu.dma_semaphore, #tpu.memory_space<semaphore_mem>>
      %dma_start3A_74 = arith.constant 0 : i32
      %dma_start3A_75 = arith.constant 0 : i32
      %dma_start3A_76 = tpu.memref_slice %arg6[%run_scoped3A_49, %dma_start3A_74, %dma_start3A_75] : memref<1x512x128xf32, #tpu.memory_space<vmem>> -> memref<1x512x128xf32, #tpu.memory_space<vmem>>
      %dma_start3A_77 = tpu.memref_squeeze %dma_start3A_76 : memref<1x512x128xf32, #tpu.memory_space<vmem>> -> memref<512x128xf32, #tpu.memory_space<vmem>>
      %dma_start3A_78 = arith.constant 0 : i32
      %dma_start3A_79 = tpu.memref_slice %arg5[%add3A_47, %dma_start3A_78] : memref<262144x128xf32, #tpu.memory_space<hbm>> -> memref<512x128xf32, #tpu.memory_space<hbm>>
      %dma_start3A_80 = arith.constant 0 : i32
      %dma_start3A_81 = tpu.memref_slice %arg5[%add3A_47, %dma_start3A_80] : memref<262144x128xf32, #tpu.memory_space<hbm>> -> memref<512x128xf32, #tpu.memory_space<hbm>>
      %dma_start3A_82 = arith.constant 0 : i32
      %dma_start3A_83 = arith.constant 0 : i32
      %dma_start3A_84 = tpu.memref_slice %arg6[%run_scoped3A_49, %dma_start3A_82, %dma_start3A_83] : memref<1x512x128xf32, #tpu.memory_space<vmem>> -> memref<1x512x128xf32, #tpu.memory_space<vmem>>
      %dma_start3A_85 = tpu.memref_squeeze %dma_start3A_84 : memref<1x512x128xf32, #tpu.memory_space<vmem>> -> memref<512x128xf32, #tpu.memory_space<vmem>>
      tpu.enqueue_dma source(%dma_start3A_85 : memref<512x128xf32, #tpu.memory_space<vmem>>) target(%dma_start3A_81 : memref<512x128xf32, #tpu.memory_space<hbm>>) target_semaphore(%run_scoped3A_73 : memref<!tpu.dma_semaphore, #tpu.memory_space<semaphore_mem>>)
      %dma_wait3A_86 = arith.constant 0 : i32
      %dma_wait3A_87 = arith.constant 0 : i32
      %dma_wait3A_88 = tpu.memref_slice %arg6[%run_scoped3A_49, %dma_wait3A_86, %dma_wait3A_87] : memref<1x512x128xf32, #tpu.memory_space<vmem>> -> memref<1x512x128xf32, #tpu.memory_space<vmem>>
      %dma_wait3A_89 = tpu.memref_squeeze %dma_wait3A_88 : memref<1x512x128xf32, #tpu.memory_space<vmem>> -> memref<512x128xf32, #tpu.memory_space<vmem>>
      %dma_wait3A_90 = arith.constant 0 : i32
      %dma_wait3A_91 = tpu.memref_slice %arg5[%add3A_47, %dma_wait3A_90] : memref<262144x128xf32, #tpu.memory_space<hbm>> -> memref<512x128xf32, #tpu.memory_space<hbm>>
      %dma_wait3A_92 = arith.constant 0 : i32
      %dma_wait3A_93 = tpu.memref_slice %arg5[%add3A_47, %dma_wait3A_92] : memref<262144x128xf32, #tpu.memory_space<hbm>> -> memref<512x128xf32, #tpu.memory_space<hbm>>
      %dma_wait3A_94 = arith.constant 0 : i32
      %dma_wait3A_95 = arith.constant 0 : i32
      %dma_wait3A_96 = tpu.memref_slice %arg6[%run_scoped3A_49, %dma_wait3A_94, %dma_wait3A_95] : memref<1x512x128xf32, #tpu.memory_space<vmem>> -> memref<1x512x128xf32, #tpu.memory_space<vmem>>
      %dma_wait3A_97 = tpu.memref_squeeze %dma_wait3A_96 : memref<1x512x128xf32, #tpu.memory_space<vmem>> -> memref<512x128xf32, #tpu.memory_space<vmem>>
      tpu.wait_dma2 semaphore(%run_scoped3A_73 : memref<!tpu.dma_semaphore, #tpu.memory_space<semaphore_mem>>) src(%dma_wait3A_97 : memref<512x128xf32, #tpu.memory_space<vmem>>) dst(%dma_wait3A_93 : memref<512x128xf32, #tpu.memory_space<hbm>>)
      tpu.yield
    }) : () -> ()
    %add3A_50 = arith.constant 6144 : i32
    %add3A_51 = arith.addi %mul3A_2, %add3A_50 : i32
    %run_scoped3A_52 = arith.constant 0 : i32
    "tpu.region"() ({
      %run_scoped3A_73 = tpu.sem_alloc : memref<!tpu.dma_semaphore, #tpu.memory_space<semaphore_mem>>
      %dma_start3A_74 = arith.constant 0 : i32
      %dma_start3A_75 = arith.constant 0 : i32
      %dma_start3A_76 = tpu.memref_slice %arg6[%run_scoped3A_52, %dma_start3A_74, %dma_start3A_75] : memref<1x512x128xf32, #tpu.memory_space<vmem>> -> memref<1x512x128xf32, #tpu.memory_space<vmem>>
      %dma_start3A_77 = tpu.memref_squeeze %dma_start3A_76 : memref<1x512x128xf32, #tpu.memory_space<vmem>> -> memref<512x128xf32, #tpu.memory_space<vmem>>
      %dma_start3A_78 = arith.constant 0 : i32
      %dma_start3A_79 = tpu.memref_slice %arg2[%add3A_51, %dma_start3A_78] : memref<262144x128xf32, #tpu.memory_space<hbm>> -> memref<512x128xf32, #tpu.memory_space<hbm>>
      %dma_start3A_80 = arith.constant 0 : i32
      %dma_start3A_81 = arith.constant 0 : i32
      %dma_start3A_82 = tpu.memref_slice %arg6[%run_scoped3A_52, %dma_start3A_80, %dma_start3A_81] : memref<1x512x128xf32, #tpu.memory_space<vmem>> -> memref<1x512x128xf32, #tpu.memory_space<vmem>>
      %dma_start3A_83 = tpu.memref_squeeze %dma_start3A_82 : memref<1x512x128xf32, #tpu.memory_space<vmem>> -> memref<512x128xf32, #tpu.memory_space<vmem>>
      %dma_start3A_84 = arith.constant 0 : i32
      %dma_start3A_85 = tpu.memref_slice %arg2[%add3A_51, %dma_start3A_84] : memref<262144x128xf32, #tpu.memory_space<hbm>> -> memref<512x128xf32, #tpu.memory_space<hbm>>
      tpu.enqueue_dma source(%dma_start3A_85 : memref<512x128xf32, #tpu.memory_space<hbm>>) target(%dma_start3A_83 : memref<512x128xf32, #tpu.memory_space<vmem>>) target_semaphore(%run_scoped3A_73 : memref<!tpu.dma_semaphore, #tpu.memory_space<semaphore_mem>>)
      %dma_wait3A_86 = arith.constant 0 : i32
      %dma_wait3A_87 = arith.constant 0 : i32
      %dma_wait3A_88 = tpu.memref_slice %arg6[%run_scoped3A_52, %dma_wait3A_86, %dma_wait3A_87] : memref<1x512x128xf32, #tpu.memory_space<vmem>> -> memref<1x512x128xf32, #tpu.memory_space<vmem>>
      %dma_wait3A_89 = tpu.memref_squeeze %dma_wait3A_88 : memref<1x512x128xf32, #tpu.memory_space<vmem>> -> memref<512x128xf32, #tpu.memory_space<vmem>>
      %dma_wait3A_90 = arith.constant 0 : i32
      %dma_wait3A_91 = tpu.memref_slice %arg2[%add3A_51, %dma_wait3A_90] : memref<262144x128xf32, #tpu.memory_space<hbm>> -> memref<512x128xf32, #tpu.memory_space<hbm>>
      %dma_wait3A_92 = arith.constant 0 : i32
      %dma_wait3A_93 = arith.constant 0 : i32
      %dma_wait3A_94 = tpu.memref_slice %arg6[%run_scoped3A_52, %dma_wait3A_92, %dma_wait3A_93] : memref<1x512x128xf32, #tpu.memory_space<vmem>> -> memref<1x512x128xf32, #tpu.memory_space<vmem>>
      %dma_wait3A_95 = tpu.memref_squeeze %dma_wait3A_94 : memref<1x512x128xf32, #tpu.memory_space<vmem>> -> memref<512x128xf32, #tpu.memory_space<vmem>>
      %dma_wait3A_96 = arith.constant 0 : i32
      %dma_wait3A_97 = tpu.memref_slice %arg2[%add3A_51, %dma_wait3A_96] : memref<262144x128xf32, #tpu.memory_space<hbm>> -> memref<512x128xf32, #tpu.memory_space<hbm>>
      tpu.wait_dma2 semaphore(%run_scoped3A_73 : memref<!tpu.dma_semaphore, #tpu.memory_space<semaphore_mem>>) src(%dma_wait3A_97 : memref<512x128xf32, #tpu.memory_space<hbm>>) dst(%dma_wait3A_95 : memref<512x128xf32, #tpu.memory_space<vmem>>)
      tpu.yield
    }) : () -> ()
    %run_scoped3A_53 = arith.constant 0 : i32
    "tpu.region"() ({
      %run_scoped3A_73 = tpu.sem_alloc : memref<!tpu.dma_semaphore, #tpu.memory_space<semaphore_mem>>
      %dma_start3A_74 = arith.constant 0 : i32
      %dma_start3A_75 = arith.constant 0 : i32
      %dma_start3A_76 = tpu.memref_slice %arg6[%run_scoped3A_53, %dma_start3A_74, %dma_start3A_75] : memref<1x512x128xf32, #tpu.memory_space<vmem>> -> memref<1x512x128xf32, #tpu.memory_space<vmem>>
      %dma_start3A_77 = tpu.memref_squeeze %dma_start3A_76 : memref<1x512x128xf32, #tpu.memory_space<vmem>> -> memref<512x128xf32, #tpu.memory_space<vmem>>
      %dma_start3A_78 = arith.constant 0 : i32
      %dma_start3A_79 = tpu.memref_slice %arg5[%add3A_51, %dma_start3A_78] : memref<262144x128xf32, #tpu.memory_space<hbm>> -> memref<512x128xf32, #tpu.memory_space<hbm>>
      %dma_start3A_80 = arith.constant 0 : i32
      %dma_start3A_81 = tpu.memref_slice %arg5[%add3A_51, %dma_start3A_80] : memref<262144x128xf32, #tpu.memory_space<hbm>> -> memref<512x128xf32, #tpu.memory_space<hbm>>
      %dma_start3A_82 = arith.constant 0 : i32
      %dma_start3A_83 = arith.constant 0 : i32
      %dma_start3A_84 = tpu.memref_slice %arg6[%run_scoped3A_53, %dma_start3A_82, %dma_start3A_83] : memref<1x512x128xf32, #tpu.memory_space<vmem>> -> memref<1x512x128xf32, #tpu.memory_space<vmem>>
      %dma_start3A_85 = tpu.memref_squeeze %dma_start3A_84 : memref<1x512x128xf32, #tpu.memory_space<vmem>> -> memref<512x128xf32, #tpu.memory_space<vmem>>
      tpu.enqueue_dma source(%dma_start3A_85 : memref<512x128xf32, #tpu.memory_space<vmem>>) target(%dma_start3A_81 : memref<512x128xf32, #tpu.memory_space<hbm>>) target_semaphore(%run_scoped3A_73 : memref<!tpu.dma_semaphore, #tpu.memory_space<semaphore_mem>>)
      %dma_wait3A_86 = arith.constant 0 : i32
      %dma_wait3A_87 = arith.constant 0 : i32
      %dma_wait3A_88 = tpu.memref_slice %arg6[%run_scoped3A_53, %dma_wait3A_86, %dma_wait3A_87] : memref<1x512x128xf32, #tpu.memory_space<vmem>> -> memref<1x512x128xf32, #tpu.memory_space<vmem>>
      %dma_wait3A_89 = tpu.memref_squeeze %dma_wait3A_88 : memref<1x512x128xf32, #tpu.memory_space<vmem>> -> memref<512x128xf32, #tpu.memory_space<vmem>>
      %dma_wait3A_90 = arith.constant 0 : i32
      %dma_wait3A_91 = tpu.memref_slice %arg5[%add3A_51, %dma_wait3A_90] : memref<262144x128xf32, #tpu.memory_space<hbm>> -> memref<512x128xf32, #tpu.memory_space<hbm>>
      %dma_wait3A_92 = arith.constant 0 : i32
      %dma_wait3A_93 = tpu.memref_slice %arg5[%add3A_51, %dma_wait3A_92] : memref<262144x128xf32, #tpu.memory_space<hbm>> -> memref<512x128xf32, #tpu.memory_space<hbm>>
      %dma_wait3A_94 = arith.constant 0 : i32
      %dma_wait3A_95 = arith.constant 0 : i32
      %dma_wait3A_96 = tpu.memref_slice %arg6[%run_scoped3A_53, %dma_wait3A_94, %dma_wait3A_95] : memref<1x512x128xf32, #tpu.memory_space<vmem>> -> memref<1x512x128xf32, #tpu.memory_space<vmem>>
      %dma_wait3A_97 = tpu.memref_squeeze %dma_wait3A_96 : memref<1x512x128xf32, #tpu.memory_space<vmem>> -> memref<512x128xf32, #tpu.memory_space<vmem>>
      tpu.wait_dma2 semaphore(%run_scoped3A_73 : memref<!tpu.dma_semaphore, #tpu.memory_space<semaphore_mem>>) src(%dma_wait3A_97 : memref<512x128xf32, #tpu.memory_space<vmem>>) dst(%dma_wait3A_93 : memref<512x128xf32, #tpu.memory_space<hbm>>)
      tpu.yield
    }) : () -> ()
    %add3A_54 = arith.constant 6656 : i32
    %add3A_55 = arith.addi %mul3A_2, %add3A_54 : i32
    %run_scoped3A_56 = arith.constant 0 : i32
    "tpu.region"() ({
      %run_scoped3A_73 = tpu.sem_alloc : memref<!tpu.dma_semaphore, #tpu.memory_space<semaphore_mem>>
      %dma_start3A_74 = arith.constant 0 : i32
      %dma_start3A_75 = arith.constant 0 : i32
      %dma_start3A_76 = tpu.memref_slice %arg6[%run_scoped3A_56, %dma_start3A_74, %dma_start3A_75] : memref<1x512x128xf32, #tpu.memory_space<vmem>> -> memref<1x512x128xf32, #tpu.memory_space<vmem>>
      %dma_start3A_77 = tpu.memref_squeeze %dma_start3A_76 : memref<1x512x128xf32, #tpu.memory_space<vmem>> -> memref<512x128xf32, #tpu.memory_space<vmem>>
      %dma_start3A_78 = arith.constant 0 : i32
      %dma_start3A_79 = tpu.memref_slice %arg2[%add3A_55, %dma_start3A_78] : memref<262144x128xf32, #tpu.memory_space<hbm>> -> memref<512x128xf32, #tpu.memory_space<hbm>>
      %dma_start3A_80 = arith.constant 0 : i32
      %dma_start3A_81 = arith.constant 0 : i32
      %dma_start3A_82 = tpu.memref_slice %arg6[%run_scoped3A_56, %dma_start3A_80, %dma_start3A_81] : memref<1x512x128xf32, #tpu.memory_space<vmem>> -> memref<1x512x128xf32, #tpu.memory_space<vmem>>
      %dma_start3A_83 = tpu.memref_squeeze %dma_start3A_82 : memref<1x512x128xf32, #tpu.memory_space<vmem>> -> memref<512x128xf32, #tpu.memory_space<vmem>>
      %dma_start3A_84 = arith.constant 0 : i32
      %dma_start3A_85 = tpu.memref_slice %arg2[%add3A_55, %dma_start3A_84] : memref<262144x128xf32, #tpu.memory_space<hbm>> -> memref<512x128xf32, #tpu.memory_space<hbm>>
      tpu.enqueue_dma source(%dma_start3A_85 : memref<512x128xf32, #tpu.memory_space<hbm>>) target(%dma_start3A_83 : memref<512x128xf32, #tpu.memory_space<vmem>>) target_semaphore(%run_scoped3A_73 : memref<!tpu.dma_semaphore, #tpu.memory_space<semaphore_mem>>)
      %dma_wait3A_86 = arith.constant 0 : i32
      %dma_wait3A_87 = arith.constant 0 : i32
      %dma_wait3A_88 = tpu.memref_slice %arg6[%run_scoped3A_56, %dma_wait3A_86, %dma_wait3A_87] : memref<1x512x128xf32, #tpu.memory_space<vmem>> -> memref<1x512x128xf32, #tpu.memory_space<vmem>>
      %dma_wait3A_89 = tpu.memref_squeeze %dma_wait3A_88 : memref<1x512x128xf32, #tpu.memory_space<vmem>> -> memref<512x128xf32, #tpu.memory_space<vmem>>
      %dma_wait3A_90 = arith.constant 0 : i32
      %dma_wait3A_91 = tpu.memref_slice %arg2[%add3A_55, %dma_wait3A_90] : memref<262144x128xf32, #tpu.memory_space<hbm>> -> memref<512x128xf32, #tpu.memory_space<hbm>>
      %dma_wait3A_92 = arith.constant 0 : i32
      %dma_wait3A_93 = arith.constant 0 : i32
      %dma_wait3A_94 = tpu.memref_slice %arg6[%run_scoped3A_56, %dma_wait3A_92, %dma_wait3A_93] : memref<1x512x128xf32, #tpu.memory_space<vmem>> -> memref<1x512x128xf32, #tpu.memory_space<vmem>>
      %dma_wait3A_95 = tpu.memref_squeeze %dma_wait3A_94 : memref<1x512x128xf32, #tpu.memory_space<vmem>> -> memref<512x128xf32, #tpu.memory_space<vmem>>
      %dma_wait3A_96 = arith.constant 0 : i32
      %dma_wait3A_97 = tpu.memref_slice %arg2[%add3A_55, %dma_wait3A_96] : memref<262144x128xf32, #tpu.memory_space<hbm>> -> memref<512x128xf32, #tpu.memory_space<hbm>>
      tpu.wait_dma2 semaphore(%run_scoped3A_73 : memref<!tpu.dma_semaphore, #tpu.memory_space<semaphore_mem>>) src(%dma_wait3A_97 : memref<512x128xf32, #tpu.memory_space<hbm>>) dst(%dma_wait3A_95 : memref<512x128xf32, #tpu.memory_space<vmem>>)
      tpu.yield
    }) : () -> ()
    %run_scoped3A_57 = arith.constant 0 : i32
    "tpu.region"() ({
      %run_scoped3A_73 = tpu.sem_alloc : memref<!tpu.dma_semaphore, #tpu.memory_space<semaphore_mem>>
      %dma_start3A_74 = arith.constant 0 : i32
      %dma_start3A_75 = arith.constant 0 : i32
      %dma_start3A_76 = tpu.memref_slice %arg6[%run_scoped3A_57, %dma_start3A_74, %dma_start3A_75] : memref<1x512x128xf32, #tpu.memory_space<vmem>> -> memref<1x512x128xf32, #tpu.memory_space<vmem>>
      %dma_start3A_77 = tpu.memref_squeeze %dma_start3A_76 : memref<1x512x128xf32, #tpu.memory_space<vmem>> -> memref<512x128xf32, #tpu.memory_space<vmem>>
      %dma_start3A_78 = arith.constant 0 : i32
      %dma_start3A_79 = tpu.memref_slice %arg5[%add3A_55, %dma_start3A_78] : memref<262144x128xf32, #tpu.memory_space<hbm>> -> memref<512x128xf32, #tpu.memory_space<hbm>>
      %dma_start3A_80 = arith.constant 0 : i32
      %dma_start3A_81 = tpu.memref_slice %arg5[%add3A_55, %dma_start3A_80] : memref<262144x128xf32, #tpu.memory_space<hbm>> -> memref<512x128xf32, #tpu.memory_space<hbm>>
      %dma_start3A_82 = arith.constant 0 : i32
      %dma_start3A_83 = arith.constant 0 : i32
      %dma_start3A_84 = tpu.memref_slice %arg6[%run_scoped3A_57, %dma_start3A_82, %dma_start3A_83] : memref<1x512x128xf32, #tpu.memory_space<vmem>> -> memref<1x512x128xf32, #tpu.memory_space<vmem>>
      %dma_start3A_85 = tpu.memref_squeeze %dma_start3A_84 : memref<1x512x128xf32, #tpu.memory_space<vmem>> -> memref<512x128xf32, #tpu.memory_space<vmem>>
      tpu.enqueue_dma source(%dma_start3A_85 : memref<512x128xf32, #tpu.memory_space<vmem>>) target(%dma_start3A_81 : memref<512x128xf32, #tpu.memory_space<hbm>>) target_semaphore(%run_scoped3A_73 : memref<!tpu.dma_semaphore, #tpu.memory_space<semaphore_mem>>)
      %dma_wait3A_86 = arith.constant 0 : i32
      %dma_wait3A_87 = arith.constant 0 : i32
      %dma_wait3A_88 = tpu.memref_slice %arg6[%run_scoped3A_57, %dma_wait3A_86, %dma_wait3A_87] : memref<1x512x128xf32, #tpu.memory_space<vmem>> -> memref<1x512x128xf32, #tpu.memory_space<vmem>>
      %dma_wait3A_89 = tpu.memref_squeeze %dma_wait3A_88 : memref<1x512x128xf32, #tpu.memory_space<vmem>> -> memref<512x128xf32, #tpu.memory_space<vmem>>
      %dma_wait3A_90 = arith.constant 0 : i32
      %dma_wait3A_91 = tpu.memref_slice %arg5[%add3A_55, %dma_wait3A_90] : memref<262144x128xf32, #tpu.memory_space<hbm>> -> memref<512x128xf32, #tpu.memory_space<hbm>>
      %dma_wait3A_92 = arith.constant 0 : i32
      %dma_wait3A_93 = tpu.memref_slice %arg5[%add3A_55, %dma_wait3A_92] : memref<262144x128xf32, #tpu.memory_space<hbm>> -> memref<512x128xf32, #tpu.memory_space<hbm>>
      %dma_wait3A_94 = arith.constant 0 : i32
      %dma_wait3A_95 = arith.constant 0 : i32
      %dma_wait3A_96 = tpu.memref_slice %arg6[%run_scoped3A_57, %dma_wait3A_94, %dma_wait3A_95] : memref<1x512x128xf32, #tpu.memory_space<vmem>> -> memref<1x512x128xf32, #tpu.memory_space<vmem>>
      %dma_wait3A_97 = tpu.memref_squeeze %dma_wait3A_96 : memref<1x512x128xf32, #tpu.memory_space<vmem>> -> memref<512x128xf32, #tpu.memory_space<vmem>>
      tpu.wait_dma2 semaphore(%run_scoped3A_73 : memref<!tpu.dma_semaphore, #tpu.memory_space<semaphore_mem>>) src(%dma_wait3A_97 : memref<512x128xf32, #tpu.memory_space<vmem>>) dst(%dma_wait3A_93 : memref<512x128xf32, #tpu.memory_space<hbm>>)
      tpu.yield
    }) : () -> ()
    %add3A_58 = arith.constant 7168 : i32
    %add3A_59 = arith.addi %mul3A_2, %add3A_58 : i32
    %run_scoped3A_60 = arith.constant 0 : i32
    "tpu.region"() ({
      %run_scoped3A_73 = tpu.sem_alloc : memref<!tpu.dma_semaphore, #tpu.memory_space<semaphore_mem>>
      %dma_start3A_74 = arith.constant 0 : i32
      %dma_start3A_75 = arith.constant 0 : i32
      %dma_start3A_76 = tpu.memref_slice %arg6[%run_scoped3A_60, %dma_start3A_74, %dma_start3A_75] : memref<1x512x128xf32, #tpu.memory_space<vmem>> -> memref<1x512x128xf32, #tpu.memory_space<vmem>>
      %dma_start3A_77 = tpu.memref_squeeze %dma_start3A_76 : memref<1x512x128xf32, #tpu.memory_space<vmem>> -> memref<512x128xf32, #tpu.memory_space<vmem>>
      %dma_start3A_78 = arith.constant 0 : i32
      %dma_start3A_79 = tpu.memref_slice %arg2[%add3A_59, %dma_start3A_78] : memref<262144x128xf32, #tpu.memory_space<hbm>> -> memref<512x128xf32, #tpu.memory_space<hbm>>
      %dma_start3A_80 = arith.constant 0 : i32
      %dma_start3A_81 = arith.constant 0 : i32
      %dma_start3A_82 = tpu.memref_slice %arg6[%run_scoped3A_60, %dma_start3A_80, %dma_start3A_81] : memref<1x512x128xf32, #tpu.memory_space<vmem>> -> memref<1x512x128xf32, #tpu.memory_space<vmem>>
      %dma_start3A_83 = tpu.memref_squeeze %dma_start3A_82 : memref<1x512x128xf32, #tpu.memory_space<vmem>> -> memref<512x128xf32, #tpu.memory_space<vmem>>
      %dma_start3A_84 = arith.constant 0 : i32
      %dma_start3A_85 = tpu.memref_slice %arg2[%add3A_59, %dma_start3A_84] : memref<262144x128xf32, #tpu.memory_space<hbm>> -> memref<512x128xf32, #tpu.memory_space<hbm>>
      tpu.enqueue_dma source(%dma_start3A_85 : memref<512x128xf32, #tpu.memory_space<hbm>>) target(%dma_start3A_83 : memref<512x128xf32, #tpu.memory_space<vmem>>) target_semaphore(%run_scoped3A_73 : memref<!tpu.dma_semaphore, #tpu.memory_space<semaphore_mem>>)
      %dma_wait3A_86 = arith.constant 0 : i32
      %dma_wait3A_87 = arith.constant 0 : i32
      %dma_wait3A_88 = tpu.memref_slice %arg6[%run_scoped3A_60, %dma_wait3A_86, %dma_wait3A_87] : memref<1x512x128xf32, #tpu.memory_space<vmem>> -> memref<1x512x128xf32, #tpu.memory_space<vmem>>
      %dma_wait3A_89 = tpu.memref_squeeze %dma_wait3A_88 : memref<1x512x128xf32, #tpu.memory_space<vmem>> -> memref<512x128xf32, #tpu.memory_space<vmem>>
      %dma_wait3A_90 = arith.constant 0 : i32
      %dma_wait3A_91 = tpu.memref_slice %arg2[%add3A_59, %dma_wait3A_90] : memref<262144x128xf32, #tpu.memory_space<hbm>> -> memref<512x128xf32, #tpu.memory_space<hbm>>
      %dma_wait3A_92 = arith.constant 0 : i32
      %dma_wait3A_93 = arith.constant 0 : i32
      %dma_wait3A_94 = tpu.memref_slice %arg6[%run_scoped3A_60, %dma_wait3A_92, %dma_wait3A_93] : memref<1x512x128xf32, #tpu.memory_space<vmem>> -> memref<1x512x128xf32, #tpu.memory_space<vmem>>
      %dma_wait3A_95 = tpu.memref_squeeze %dma_wait3A_94 : memref<1x512x128xf32, #tpu.memory_space<vmem>> -> memref<512x128xf32, #tpu.memory_space<vmem>>
      %dma_wait3A_96 = arith.constant 0 : i32
      %dma_wait3A_97 = tpu.memref_slice %arg2[%add3A_59, %dma_wait3A_96] : memref<262144x128xf32, #tpu.memory_space<hbm>> -> memref<512x128xf32, #tpu.memory_space<hbm>>
      tpu.wait_dma2 semaphore(%run_scoped3A_73 : memref<!tpu.dma_semaphore, #tpu.memory_space<semaphore_mem>>) src(%dma_wait3A_97 : memref<512x128xf32, #tpu.memory_space<hbm>>) dst(%dma_wait3A_95 : memref<512x128xf32, #tpu.memory_space<vmem>>)
      tpu.yield
    }) : () -> ()
    %run_scoped3A_61 = arith.constant 0 : i32
    "tpu.region"() ({
      %run_scoped3A_73 = tpu.sem_alloc : memref<!tpu.dma_semaphore, #tpu.memory_space<semaphore_mem>>
      %dma_start3A_74 = arith.constant 0 : i32
      %dma_start3A_75 = arith.constant 0 : i32
      %dma_start3A_76 = tpu.memref_slice %arg6[%run_scoped3A_61, %dma_start3A_74, %dma_start3A_75] : memref<1x512x128xf32, #tpu.memory_space<vmem>> -> memref<1x512x128xf32, #tpu.memory_space<vmem>>
      %dma_start3A_77 = tpu.memref_squeeze %dma_start3A_76 : memref<1x512x128xf32, #tpu.memory_space<vmem>> -> memref<512x128xf32, #tpu.memory_space<vmem>>
      %dma_start3A_78 = arith.constant 0 : i32
      %dma_start3A_79 = tpu.memref_slice %arg5[%add3A_59, %dma_start3A_78] : memref<262144x128xf32, #tpu.memory_space<hbm>> -> memref<512x128xf32, #tpu.memory_space<hbm>>
      %dma_start3A_80 = arith.constant 0 : i32
      %dma_start3A_81 = tpu.memref_slice %arg5[%add3A_59, %dma_start3A_80] : memref<262144x128xf32, #tpu.memory_space<hbm>> -> memref<512x128xf32, #tpu.memory_space<hbm>>
      %dma_start3A_82 = arith.constant 0 : i32
      %dma_start3A_83 = arith.constant 0 : i32
      %dma_start3A_84 = tpu.memref_slice %arg6[%run_scoped3A_61, %dma_start3A_82, %dma_start3A_83] : memref<1x512x128xf32, #tpu.memory_space<vmem>> -> memref<1x512x128xf32, #tpu.memory_space<vmem>>
      %dma_start3A_85 = tpu.memref_squeeze %dma_start3A_84 : memref<1x512x128xf32, #tpu.memory_space<vmem>> -> memref<512x128xf32, #tpu.memory_space<vmem>>
      tpu.enqueue_dma source(%dma_start3A_85 : memref<512x128xf32, #tpu.memory_space<vmem>>) target(%dma_start3A_81 : memref<512x128xf32, #tpu.memory_space<hbm>>) target_semaphore(%run_scoped3A_73 : memref<!tpu.dma_semaphore, #tpu.memory_space<semaphore_mem>>)
      %dma_wait3A_86 = arith.constant 0 : i32
      %dma_wait3A_87 = arith.constant 0 : i32
      %dma_wait3A_88 = tpu.memref_slice %arg6[%run_scoped3A_61, %dma_wait3A_86, %dma_wait3A_87] : memref<1x512x128xf32, #tpu.memory_space<vmem>> -> memref<1x512x128xf32, #tpu.memory_space<vmem>>
      %dma_wait3A_89 = tpu.memref_squeeze %dma_wait3A_88 : memref<1x512x128xf32, #tpu.memory_space<vmem>> -> memref<512x128xf32, #tpu.memory_space<vmem>>
      %dma_wait3A_90 = arith.constant 0 : i32
      %dma_wait3A_91 = tpu.memref_slice %arg5[%add3A_59, %dma_wait3A_90] : memref<262144x128xf32, #tpu.memory_space<hbm>> -> memref<512x128xf32, #tpu.memory_space<hbm>>
      %dma_wait3A_92 = arith.constant 0 : i32
      %dma_wait3A_93 = tpu.memref_slice %arg5[%add3A_59, %dma_wait3A_92] : memref<262144x128xf32, #tpu.memory_space<hbm>> -> memref<512x128xf32, #tpu.memory_space<hbm>>
      %dma_wait3A_94 = arith.constant 0 : i32
      %dma_wait3A_95 = arith.constant 0 : i32
      %dma_wait3A_96 = tpu.memref_slice %arg6[%run_scoped3A_61, %dma_wait3A_94, %dma_wait3A_95] : memref<1x512x128xf32, #tpu.memory_space<vmem>> -> memref<1x512x128xf32, #tpu.memory_space<vmem>>
      %dma_wait3A_97 = tpu.memref_squeeze %dma_wait3A_96 : memref<1x512x128xf32, #tpu.memory_space<vmem>> -> memref<512x128xf32, #tpu.memory_space<vmem>>
      tpu.wait_dma2 semaphore(%run_scoped3A_73 : memref<!tpu.dma_semaphore, #tpu.memory_space<semaphore_mem>>) src(%dma_wait3A_97 : memref<512x128xf32, #tpu.memory_space<vmem>>) dst(%dma_wait3A_93 : memref<512x128xf32, #tpu.memory_space<hbm>>)
      tpu.yield
    }) : () -> ()
    %add3A_62 = arith.constant 7680 : i32
    %add3A_63 = arith.addi %mul3A_2, %add3A_62 : i32
    %run_scoped3A_64 = arith.constant 0 : i32
    "tpu.region"() ({
      %run_scoped3A_73 = tpu.sem_alloc : memref<!tpu.dma_semaphore, #tpu.memory_space<semaphore_mem>>
      %dma_start3A_74 = arith.constant 0 : i32
      %dma_start3A_75 = arith.constant 0 : i32
      %dma_start3A_76 = tpu.memref_slice %arg6[%run_scoped3A_64, %dma_start3A_74, %dma_start3A_75] : memref<1x512x128xf32, #tpu.memory_space<vmem>> -> memref<1x512x128xf32, #tpu.memory_space<vmem>>
      %dma_start3A_77 = tpu.memref_squeeze %dma_start3A_76 : memref<1x512x128xf32, #tpu.memory_space<vmem>> -> memref<512x128xf32, #tpu.memory_space<vmem>>
      %dma_start3A_78 = arith.constant 0 : i32
      %dma_start3A_79 = tpu.memref_slice %arg2[%add3A_63, %dma_start3A_78] : memref<262144x128xf32, #tpu.memory_space<hbm>> -> memref<512x128xf32, #tpu.memory_space<hbm>>
      %dma_start3A_80 = arith.constant 0 : i32
      %dma_start3A_81 = arith.constant 0 : i32
      %dma_start3A_82 = tpu.memref_slice %arg6[%run_scoped3A_64, %dma_start3A_80, %dma_start3A_81] : memref<1x512x128xf32, #tpu.memory_space<vmem>> -> memref<1x512x128xf32, #tpu.memory_space<vmem>>
      %dma_start3A_83 = tpu.memref_squeeze %dma_start3A_82 : memref<1x512x128xf32, #tpu.memory_space<vmem>> -> memref<512x128xf32, #tpu.memory_space<vmem>>
      %dma_start3A_84 = arith.constant 0 : i32
      %dma_start3A_85 = tpu.memref_slice %arg2[%add3A_63, %dma_start3A_84] : memref<262144x128xf32, #tpu.memory_space<hbm>> -> memref<512x128xf32, #tpu.memory_space<hbm>>
      tpu.enqueue_dma source(%dma_start3A_85 : memref<512x128xf32, #tpu.memory_space<hbm>>) target(%dma_start3A_83 : memref<512x128xf32, #tpu.memory_space<vmem>>) target_semaphore(%run_scoped3A_73 : memref<!tpu.dma_semaphore, #tpu.memory_space<semaphore_mem>>)
      %dma_wait3A_86 = arith.constant 0 : i32
      %dma_wait3A_87 = arith.constant 0 : i32
      %dma_wait3A_88 = tpu.memref_slice %arg6[%run_scoped3A_64, %dma_wait3A_86, %dma_wait3A_87] : memref<1x512x128xf32, #tpu.memory_space<vmem>> -> memref<1x512x128xf32, #tpu.memory_space<vmem>>
      %dma_wait3A_89 = tpu.memref_squeeze %dma_wait3A_88 : memref<1x512x128xf32, #tpu.memory_space<vmem>> -> memref<512x128xf32, #tpu.memory_space<vmem>>
      %dma_wait3A_90 = arith.constant 0 : i32
      %dma_wait3A_91 = tpu.memref_slice %arg2[%add3A_63, %dma_wait3A_90] : memref<262144x128xf32, #tpu.memory_space<hbm>> -> memref<512x128xf32, #tpu.memory_space<hbm>>
      %dma_wait3A_92 = arith.constant 0 : i32
      %dma_wait3A_93 = arith.constant 0 : i32
      %dma_wait3A_94 = tpu.memref_slice %arg6[%run_scoped3A_64, %dma_wait3A_92, %dma_wait3A_93] : memref<1x512x128xf32, #tpu.memory_space<vmem>> -> memref<1x512x128xf32, #tpu.memory_space<vmem>>
      %dma_wait3A_95 = tpu.memref_squeeze %dma_wait3A_94 : memref<1x512x128xf32, #tpu.memory_space<vmem>> -> memref<512x128xf32, #tpu.memory_space<vmem>>
      %dma_wait3A_96 = arith.constant 0 : i32
      %dma_wait3A_97 = tpu.memref_slice %arg2[%add3A_63, %dma_wait3A_96] : memref<262144x128xf32, #tpu.memory_space<hbm>> -> memref<512x128xf32, #tpu.memory_space<hbm>>
      tpu.wait_dma2 semaphore(%run_scoped3A_73 : memref<!tpu.dma_semaphore, #tpu.memory_space<semaphore_mem>>) src(%dma_wait3A_97 : memref<512x128xf32, #tpu.memory_space<hbm>>) dst(%dma_wait3A_95 : memref<512x128xf32, #tpu.memory_space<vmem>>)
      tpu.yield
    }) : () -> ()
    %run_scoped3A_65 = arith.constant 0 : i32
    "tpu.region"() ({
      %run_scoped3A_73 = tpu.sem_alloc : memref<!tpu.dma_semaphore, #tpu.memory_space<semaphore_mem>>
      %dma_start3A_74 = arith.constant 0 : i32
      %dma_start3A_75 = arith.constant 0 : i32
      %dma_start3A_76 = tpu.memref_slice %arg6[%run_scoped3A_65, %dma_start3A_74, %dma_start3A_75] : memref<1x512x128xf32, #tpu.memory_space<vmem>> -> memref<1x512x128xf32, #tpu.memory_space<vmem>>
      %dma_start3A_77 = tpu.memref_squeeze %dma_start3A_76 : memref<1x512x128xf32, #tpu.memory_space<vmem>> -> memref<512x128xf32, #tpu.memory_space<vmem>>
      %dma_start3A_78 = arith.constant 0 : i32
      %dma_start3A_79 = tpu.memref_slice %arg5[%add3A_63, %dma_start3A_78] : memref<262144x128xf32, #tpu.memory_space<hbm>> -> memref<512x128xf32, #tpu.memory_space<hbm>>
      %dma_start3A_80 = arith.constant 0 : i32
      %dma_start3A_81 = tpu.memref_slice %arg5[%add3A_63, %dma_start3A_80] : memref<262144x128xf32, #tpu.memory_space<hbm>> -> memref<512x128xf32, #tpu.memory_space<hbm>>
      %dma_start3A_82 = arith.constant 0 : i32
      %dma_start3A_83 = arith.constant 0 : i32
      %dma_start3A_84 = tpu.memref_slice %arg6[%run_scoped3A_65, %dma_start3A_82, %dma_start3A_83] : memref<1x512x128xf32, #tpu.memory_space<vmem>> -> memref<1x512x128xf32, #tpu.memory_space<vmem>>
      %dma_start3A_85 = tpu.memref_squeeze %dma_start3A_84 : memref<1x512x128xf32, #tpu.memory_space<vmem>> -> memref<512x128xf32, #tpu.memory_space<vmem>>
      tpu.enqueue_dma source(%dma_start3A_85 : memref<512x128xf32, #tpu.memory_space<vmem>>) target(%dma_start3A_81 : memref<512x128xf32, #tpu.memory_space<hbm>>) target_semaphore(%run_scoped3A_73 : memref<!tpu.dma_semaphore, #tpu.memory_space<semaphore_mem>>)
      %dma_wait3A_86 = arith.constant 0 : i32
      %dma_wait3A_87 = arith.constant 0 : i32
      %dma_wait3A_88 = tpu.memref_slice %arg6[%run_scoped3A_65, %dma_wait3A_86, %dma_wait3A_87] : memref<1x512x128xf32, #tpu.memory_space<vmem>> -> memref<1x512x128xf32, #tpu.memory_space<vmem>>
      %dma_wait3A_89 = tpu.memref_squeeze %dma_wait3A_88 : memref<1x512x128xf32, #tpu.memory_space<vmem>> -> memref<512x128xf32, #tpu.memory_space<vmem>>
      %dma_wait3A_90 = arith.constant 0 : i32
      %dma_wait3A_91 = tpu.memref_slice %arg5[%add3A_63, %dma_wait3A_90] : memref<262144x128xf32, #tpu.memory_space<hbm>> -> memref<512x128xf32, #tpu.memory_space<hbm>>
      %dma_wait3A_92 = arith.constant 0 : i32
      %dma_wait3A_93 = tpu.memref_slice %arg5[%add3A_63, %dma_wait3A_92] : memref<262144x128xf32, #tpu.memory_space<hbm>> -> memref<512x128xf32, #tpu.memory_space<hbm>>
      %dma_wait3A_94 = arith.constant 0 : i32
      %dma_wait3A_95 = arith.constant 0 : i32
      %dma_wait3A_96 = tpu.memref_slice %arg6[%run_scoped3A_65, %dma_wait3A_94, %dma_wait3A_95] : memref<1x512x128xf32, #tpu.memory_space<vmem>> -> memref<1x512x128xf32, #tpu.memory_space<vmem>>
      %dma_wait3A_97 = tpu.memref_squeeze %dma_wait3A_96 : memref<1x512x128xf32, #tpu.memory_space<vmem>> -> memref<512x128xf32, #tpu.memory_space<vmem>>
      tpu.wait_dma2 semaphore(%run_scoped3A_73 : memref<!tpu.dma_semaphore, #tpu.memory_space<semaphore_mem>>) src(%dma_wait3A_97 : memref<512x128xf32, #tpu.memory_space<vmem>>) dst(%dma_wait3A_93 : memref<512x128xf32, #tpu.memory_space<hbm>>)
      tpu.yield
    }) : () -> ()
    %dma_start3A = arith.constant 0 : i32
    %dma_start3A_66 = arith.constant 0 : i32
    %dma_start3A_67 = tpu.memref_slice %arg5[%dma_start3A, %dma_start3A_66] : memref<262144x128xf32, #tpu.memory_space<hbm>> -> memref<262144x128xf32, #tpu.memory_space<hbm>>
    tpu.enqueue_indirect_dma source(%arg7 : memref<8x128xf32, #tpu.memory_space<vmem>>) target(%dma_start3A_67 : memref<262144x128xf32, #tpu.memory_space<hbm>>) offsets(%arg8 : memref<8xi32, #tpu.memory_space<vmem>>) semaphore(%arg15 : memref<!tpu.dma_semaphore, #tpu.memory_space<semaphore_mem>>)
    %dma_start3A_68 = arith.constant 0 : i32
    %dma_start3A_69 = arith.constant 0 : i32
    %dma_start3A_70 = tpu.memref_slice %arg5[%dma_start3A_68, %dma_start3A_69] : memref<262144x128xf32, #tpu.memory_space<hbm>> -> memref<262144x128xf32, #tpu.memory_space<hbm>>
    tpu.enqueue_indirect_dma source(%arg7 : memref<8x128xf32, #tpu.memory_space<vmem>>) target(%dma_start3A_70 : memref<262144x128xf32, #tpu.memory_space<hbm>>) offsets(%arg8 : memref<8xi32, #tpu.memory_space<vmem>>) semaphore(%arg15 : memref<!tpu.dma_semaphore, #tpu.memory_space<semaphore_mem>>)
    %dma_wait3A = arith.constant 0 : i32
    %dma_wait3A_71 = arith.constant 0 : i32
    %dma_wait3A_72 = tpu.memref_slice %arg5[%dma_wait3A, %dma_wait3A_71] : memref<262144x128xf32, #tpu.memory_space<hbm>> -> memref<262144x128xf32, #tpu.memory_space<hbm>>
    tpu.wait_indirect_dma semaphore(%arg15 : memref<!tpu.dma_semaphore, #tpu.memory_space<semaphore_mem>>) src(%arg7 : memref<8x128xf32, #tpu.memory_space<vmem>>) dst(%dma_wait3A_72 : memref<262144x128xf32, #tpu.memory_space<hbm>>)
    return
  }
}

module attributes {stable_mosaic.version = 14 : i64} {
  func.func @_quant_body(%arg0: memref<32x8x128xf32, #tpu.memory_space<vmem>>, %arg1: memref<32x8x128xf32, #tpu.memory_space<vmem>>) attributes {dimension_semantics = [], scalar_prefetch = 0 : i64, scratch_operands = 0 : i64, tpu.core_type = #tpu.core_type<tc>} {
    %get3A = arith.constant 0 : index
    %get3A_0 = arith.constant 0 : index
    %get3A_1 = arith.constant 0 : index
    %get3A_2 = vector.load %arg0[%get3A, %get3A_0, %get3A_1] : memref<32x8x128xf32, #tpu.memory_space<vmem>>, vector<32x8x128xf32>
    %convert_element_type3A = arith.truncf %get3A_2 : vector<32x8x128xf32> to vector<32x8x128xf8E4M3FN>
    %convert_element_type3A_3 = arith.extf %convert_element_type3A : vector<32x8x128xf8E4M3FN> to vector<32x8x128xf32>
    %swap3A = arith.constant 0 : index
    %swap3A_4 = arith.constant 0 : index
    %swap3A_5 = arith.constant 0 : index
    %swap3A_6 = vector.load %arg1[%swap3A, %swap3A_4, %swap3A_5] : memref<32x8x128xf32, #tpu.memory_space<vmem>>, vector<32x8x128xf32>
    tpu.vector_store %arg1[%swap3A, %swap3A_4, %swap3A_5], %convert_element_type3A_3 {strides = array<i32>} : memref<32x8x128xf32, #tpu.memory_space<vmem>>, vector<32x8x128xf32>,
    return
  }
}

</mosaic_0001>

<sc_bundles>
// kernel: kernel.4.cloned.1.call-start
scs
__scs_entry_jumppad:
0x0: {  	(pc) =	sbr.rel $0x88, $3  }
0x1: {  	(tag) =	ssettag $0x0;
	lr =	simm.s32 $0x1  }
0x2: {  	[smem:$0x3F9D] =	sst lr;
	_ =	strace $0xD0000000  }
0x3: {  	_ = 	snop  }
0x4: {  	_ = 	snop  }
0x5: {  	_ = 	snop  }
0x6: {  	_ = 	snop  }
0x7: {  	_ = 	snop  }
__scs_overlays_trampoline_lowered:
0x8: {  	[smem:$0x3FAC] =	sst s0  }
0x9: {  	[smem:$0x3FAD] =	sst s1  }
0xa: {  	[smem:$0x3FAE] =	sst s2  }
0xb: {  	[smem:$0x3FAF] =	sst s3  }
0xc: {  	[smem:$0x3FB0] =	sst s4  }
0xd: {  	[smem:$0x3FB1] =	sst s5  }
0xe: {  	[smem:$0x3FB2] =	sst s6  }
0xf: {  	[smem:$0x3FB3] =	sst s7  }
0x10: {  	[smem:$0x3FB4] =	sst s8  }
0x11: {  	[smem:$0x3FB5] =	sst s9;
	s0 =	simm.s32 @!p0 $0x0  }
0x12: {  	s1 =	sld [smem:$0x3F9B];
	s0 =	simm.s32 @p0 $0x1  }
0x13: {  	[smem:$0x3FB6] =	sst s0;
	s0 =	simm.s32 @!p1 $0x0  }
0x14: {  	s2 =	sld [smem:$0x3F9A];
	s0 =	simm.s32 @p1 $0x1  }
0x15: {  	[smem:$0x3FB7] =	sst s0;
	s0 =	simm.s32 @!p2 $0x0  }
0x16: {  	s3 =	sld [smem:$0x3FDB];
	s0 =	simm.s32 @p2 $0x1  }
0x17: {  	s4 =	simm.s32 $0x1BF5;
	[smem:$0x3FB9] =	sst s0  }
0x18: {  	s0 =	sld [smem:$0x3F9C];
	_ =	swait.ge [sflag:s4], $0x0  }
0x19: {  	s7 =	sld [smem:$0x3F9D]  }
0x1a: {  	s8 =	sadd.s32 $0xFFFFE003, lr  }
0x1b: {  	s9 =	sadd.s32 $0xFFFFFEF7, lr;
	s5 =	simm.s32 $0xFFFFFFFF;
	p2 =	slt.u32 s8, $0xFFFFF086  }
0x1c: {  	p1 =	slt.u32 s9, $0xF7A;
	s5 =	simm.s32 @!p2 $0x0  }
0x1d: {  	s5 =	simm.s32 @p1 $0x1;
	p0 =	seq.s32 s7, s2  }
0x1e: {  	s7 =	smul.u32 @!p0 $0xF7A, s2;
	p2 =	seq.s32 @!p0 s5, $0x0  }
0x1f: {  	s9 =	smul.u32 $0xF7A, s1;
	s8 =	simm.s32 @!p0 $0x1BF5;
	p2 =	por !p2, p0  }
0x20: {  	[sflag:s8] =	ssyncset.s32 @!p0 $0xFFFFF086;
	s6 =	sadd.s32 @!p0 s3, s7;
	s7 =	simm.s32 @!p0 $0x108  }
0x21: {  	s3 =	sadd.s32 s3, s9;
	s6 =	sadd.s32 @!p0 $0x88, s6;
	s7 =	simm.s32 @p2 $0x1082  }
0x22: {  	[simem:s7], [sflag:s8] =	dma.local @!p0 [hbm:s6], $0xF7A  }
0x23: {  	s9 =	sor.u32 $0xD0000000, s2;
	s6 =	simm.s32 $0x108;
	_ =	swait.ge @!p0 [sflag:s8], $0x0  }
0x24: {  	s3 =	sadd.s32 $0x88, s3;
	s6 =	simm.s32 @!p1 $0x1082;
	[sflag:s4] =	ssyncset.s32 $0xFFFFF086  }
0x25: {  	[simem:s6], [sflag:s4] =	dma.local [hbm:s3], $0xF7A  }
0x26: {  	[smem:$0x3F9D] =	sst s1;
	(tag) =	ssettag s2;
	_ =	strace s9  }
0x27: {  	s1 =	sld [smem:$0x3FAD]  }
0x28: {  	s2 =	sld [smem:$0x3FAE]  }
0x29: {  	s4 =	sld [smem:$0x3FB0]  }
0x2a: {  	p0 =	seq.s32 s5, $0x0;
	s5 =	sld [smem:$0x3FB1]  }
0x2b: {  	s6 =	sld [smem:$0x3FB2]  }
0x2c: {  	s7 =	sld [smem:$0x3FB3]  }
0x2d: {  	s3 =	simm.s32 $0x108;
	s8 =	sld [smem:$0x3FB4]  }
0x2e: {  	s3 =	simm.s32 @!p0 $0x1082;
	s9 =	sld [smem:$0x3FB5]  }
0x2f: {  	lr =	sadd.s32 s0, s3;
	s0 =	sld [smem:$0x3FAC]  }
0x30: {  	s3 =	sld [smem:$0x3FAF]  }
0x31: {  	[smem:$0x3FB8] =	sst s10  }
0x32: {  	s10 =	sld [smem:$0x3FB6];
	_ =	sdelay $0x3  }
0x33: {  	p0 =	seq.s32 s10, $0x1;
	s10 =	sld [smem:$0x3FB8];
	_ =	sdelay $0x3  }
0x34: {  	[smem:$0x3FB8] =	sst s10  }
0x35: {  	s10 =	sld [smem:$0x3FB7];
	_ =	sdelay $0x3  }
0x36: {  	p1 =	seq.s32 s10, $0x1;
	s10 =	sld [smem:$0x3FB8];
	_ =	sdelay $0x3  }
0x37: {  	[smem:$0x3FB8] =	sst s10  }
0x38: {  	s10 =	sld [smem:$0x3FB9]  }
0x39: {  	_ = 	snop;
	(pc) =	sbr.ind lr, $3  }
0x3a: {  	_ = 	snop  }
0x3b: {  	_ = 	snop  }
0x3c: {  	p2 =	seq.s32 s10, $0x1;
	s10 =	sld [smem:$0x3FB8]  }
0x3d: {  	_ =	shalt  }
0x3e: {  	_ =	shalt  }
0x3f: {  	_ =	shalt  }
0x40: {  	_ =	shalt  }
0x41: {  	_ =	shalt  }
0x42: {  	_ =	shalt  }
0x43: {  	_ =	shalt  }
0x44: {  	_ =	shalt  }
0x45: {  	_ =	shalt  }
0x46: {  	_ =	shalt  }
0x47: {  	_ =	shalt  }
0x48: {  	_ =	shalt  }
0x49: {  	_ =	shalt  }
0x4a: {  	_ =	shalt  }
0x4b: {  	_ =	shalt  }
0x4c: {  	_ =	shalt  }
0x4d: {  	_ =	shalt  }
0x4e: {  	_ =	shalt  }
0x4f: {  	_ =	shalt  }
0x50: {  	_ =	shalt  }
0x51: {  	_ =	shalt  }
0x52: {  	_ =	shalt  }
0x53: {  	_ =	shalt  }
0x54: {  	_ =	shalt  }
0x55: {  	_ =	shalt  }
0x56: {  	_ =	shalt  }
0x57: {  	_ =	shalt  }
0x58: {  	_ =	shalt  }
0x59: {  	_ =	shalt  }
0x5a: {  	_ =	shalt  }
0x5b: {  	_ =	shalt  }
0x5c: {  	_ =	shalt  }
0x5d: {  	_ =	shalt  }
0x5e: {  	_ =	shalt  }
0x5f: {  	_ =	shalt  }
0x60: {  	_ =	shalt  }
0x61: {  	_ =	shalt  }
0x62: {  	_ =	shalt  }
0x63: {  	_ =	shalt  }
0x64: {  	_ =	shalt  }
0x65: {  	_ =	shalt  }
0x66: {  	_ =	shalt  }
0x67: {  	_ =	shalt  }
0x68: {  	_ =	shalt  }
0x69: {  	_ =	shalt  }
0x6a: {  	_ =	shalt  }
0x6b: {  	_ =	shalt  }
0x6c: {  	_ =	shalt  }
0x6d: {  	_ =	shalt  }
0x6e: {  	_ =	shalt  }
0x6f: {  	_ =	shalt  }
0x70: {  	_ =	shalt  }
0x71: {  	_ =	shalt  }
0x72: {  	_ =	shalt  }
0x73: {  	_ =	shalt  }
0x74: {  	_ =	shalt  }
0x75: {  	_ =	shalt  }
0x76: {  	_ =	shalt  }
0x77: {  	_ =	shalt  }
0x78: {  	_ =	shalt  }
0x79: {  	_ =	shalt  }
0x7a: {  	_ =	shalt  }
0x7b: {  	_ =	shalt  }
0x7c: {  	_ =	shalt  }
0x7d: {  	_ =	shalt  }
0x7e: {  	_ =	shalt  }
0x7f: {  	_ =	shalt  }
0x80: {  	_ =	shalt  }
0x81: {  	_ =	shalt  }
0x82: {  	_ =	shalt  }
0x83: {  	_ =	shalt  }
0x84: {  	_ =	shalt  }
0x85: {  	_ =	shalt  }
0x86: {  	_ =	shalt  }
0x87: {  	_ =	shalt  }
.Lfunc_end0:
.L_simem_size_0:
called_computation_lowered:
.L_overlay_start_0:
0x88: {  	s2 =	sld [smem:$0x3FD9]  }
0x89: {  	s3 =	sld [smem:$0x3FFE];
	_ =	sdelay $0x1  }
0x8a: {  	s1 =	srdreg.scid  }
0x8b: {  	s0 =	sand.u32 $0x1, s1  }
0x8c: {  	s17 =	sshll.u32 s0, $0xA;
	s2 =	sadd.s32 s3, s2  }
0x8d: {  	s2 =	sadd.s32 s2, s17  }
0x8e: {  	[smem:$0x3FC4] =	sst s2  }
0x8f: {  	_ = 	snop  }
0x90: {  	s2 =	sld [smem:$0x3FC9]  }
0x91: {  	s18 =	sld [smem:$0x3FD0];
	(tm) =	ssettm $0x1  }
0x92: {  	s4 =	sld [smem:$0x3FFB];
	_ =	sdelay $0x3  }
0x93: {  	_ =	strace s4  }
0x94: {  	s4 =	sld [smem:$0x3FFC];
	_ =	sdelay $0x3  }
0x95: {  	_ =	strace s4  }
0x96: {  	s4 =	sld [smem:$0x3FFD];
	_ =	sdelay $0x3  }
0x97: {  	_ =	strace s4  }
0x98: {  	_ =	strace $0x8FFFFFFF  }
0x99: {  	s19 =	sld [smem:$0x3FDB];
	_ =	sdelay $0x1  }
0x9a: {  	s5 =	simm.s32 $_scs_section_size  }
0x9b: {  	s6 =	simm.s32 $_size__tile_overlayer_lowered;
	s7 =	simm.s32 $_tile_overlayer_lowered  }
0x9c: {  	s22 =	simm.s32 $0x1BFF;
	s21 =	sshll.u32 s7, $0x1;
	s4 =	sadd.s32 s5, s19  }
0x9d: {  	s8 =	simm.s32 $0x0;
	s20 =	sshll.u32 s6, $0x1;
	s6 =	sadd.s32 s21, s4  }
0x9e: {  	[timem:s8], [sflag:s22] =	dma.local [hbm:s6], s20  }
0x9f: {  	_ =	swait.ge [sflag:s22], s20  }
0xa0: {  	s5 =	ssub.s32 $0x0, s20;
	[sflag:s22] =	ssyncset.done $0x0  }
0xa1: {  	[sflag:s22] =	ssyncadd.s32 s5;
	_ =	sdelay $0x1  }
0xa2: {  	s23 =	simm.s32 $0x1B8B  }
0xa3: {  	_ =	swait.ge [sflag:s23], $0x1  }
0xa4: {  	[sflag:s23] =	ssyncset.done $0x0  }
0xa5: {  	s25 =	simm.s32 $0x1B8E;
	s24 =	sld [smem:$0x3FFE];
	[sflag:s23] =	ssyncadd.s32 $0xFFFFFFFF  }
0xa6: {  	s26 =	simm.s32 $execute0_lowered;
	[smem:$0x3FD2] =	sst s25  }
0xa7: {  	s6 =	sshll.u32 s26, $0x1;
	_ =	strace $0x80000046;
	[dreg:$0x1] =	wrdreg $0xFFFFFFFF  }
0xa8: {  	s28 =	simm.s32 $_size_execute0_lowered;
	s4 =	sadd.s32 s4, s6;
	[dreg:$0x0] =	wrdreg $0x0  }
0xa9: {  	s6 =	sshll.u32 s28, $0x1;
	[dreg:$0x2] =	wrdreg s4  }
0xaa: {  	[dreg:$0x3] =	wrdreg s6  }
0xab: {  	[dreg:$0x4] =	wrdreg $0xC0  }
0xac: {  	_ =	task [dreg:s8], $0x5FFFF  }
0xad: {  	[dreg:$0x1] =	wrdreg $0xFFFFFFFF  }
0xae: {  	[dreg:$0x0] =	wrdreg $0x60  }
0xaf: {  	[dreg:$0x2] =	wrdreg s2  }
0xb0: {  	[dreg:$0x3] =	wrdreg s24  }
0xb1: {  	[dreg:$0x4] =	wrdreg s18  }
0xb2: {  	[dreg:$0x5] =	wrdreg $0x9  }
0xb3: {  	_ =	task.clear_ibuf [dreg:s8], $0x6FFFF;
	_ =	strace $0x90000046  }
0xb4: {  	s29 =	simm.s32 $0x9;
	_ =	strace $0x80000048  }
0xb5: {  	_ =	swait.ge [sflag:s29], $0x1  }
0xb6: {  	[sflag:s29] =	ssyncadd.s32 $0xFFFFFFFF  }
0xb7: {  	_ =	strace $0x90000048  }
0xb8: {  	_ =	sfence  }
0xb9: {  	s30 =	sld [smem:$0x0];
	_ =	sdelay $0x2  }
0xba: {  	s31 =	sshll.u32 s1, $0xD;
	s1 =	sshrl.u32 s1, $0x2  }
0xbb: {  	s3 =	sand.u32 $0x4000, s31;
	s1 =	sadd.s32 s1, s30  }
0xbc: {  	s0 =	sor.u32 s3, s0;
	s1 =	sshll.u32 s1, $0x11  }
0xbd: {  	s0 =	sor.u32 s1, s0  }
0xbe: {  	s0 =	sadd.s32 $0x8F2B, s0  }
0xbf: {  	[sflag:s0] =	ssyncadd.remote.s32 $0x1  }
0xc0: {  	_ =	sfence.sel $0xFFFF  }
0xc1: {  	[dreg:$0x0] =	wrdreg $0xFFFFFFFF;
	(pc) =	sbr.abs _section_cstart, $3  }
0xc2: {  	[dreg:$0x1] =	wrdreg $0xFFFFFFFF  }
0xc3: {  	_ =	task.clear_ibuf [dreg:s8], $0x2FFFF;
	_ =	strace $0x9FFFFFFF  }
0xc4: {  	(tm) =	ssettm $0x7FFFFFFF  }
0xc5: {  	_ =	shalt  }
tec
execute0_lowered:
.L_overlay_start_1:
0x0: {  	(tag) =	ssettag $0x1  }
0x1: {  	s28 =	rddreg [dreg:$0x0]  }
0x2: {  	s1 =	srdreg.scid;
	s0 =	stileid.u32  }
0x3: {  	s4 =	rddreg [dreg:$0x1];
	s1 =	sand.u32 $0x1, s1;
	s3 =	sshll.u32 s0, $0x1  }
0x4: {  	s2 =	rddreg [dreg:$0x2];
	s5 =	sor.u32 s1, s3;
	s3 =	simm.s32 $0x0  }
0x5: {  	s6 =	sshll.u32 s5, $0x4;
	[smem:$0x7FF] =	sst s3;
	s29 =	sshll.u32 s5, $0x11  }
0x6: {  	s7 =	sshll.u32 s5, $0x7;
	s6 =	sadd.s32 s6, s4;
	s26 =	sadd.s32 s28, s29  }
0x7: {  	_ =	strace $0x80000047;
	s0 =	sadd.s32 s2, s29;
	[dreg:$0x6] =	wrdreg s26  }
0x8: {  	s4 =	sadd.s32 s7, s4;
	s6 =	sadd.s32 $0x600, s6;
	[dreg:$0x7] =	wrdreg s0  }
0x9: {  	s5 =	sor.u32 $0x2000, s29;
	s4 =	sadd.s32 $0x800, s4;
	[dreg:$0x4] =	wrdreg s6  }
0xa: {  	s8 =	sor.u32 $0x4000, s29;
	s7 =	sadd.s32 s2, s5;
	[dreg:$0x5] =	wrdreg s4  }
0xb: {  	s9 =	sadd.s32 s28, s8;
	[dreg:$0x9] =	wrdreg s7  }
0xc: {  	s11 =	sor.u32 $0x6000, s29;
	s10 =	sadd.s32 s2, s8;
	[dreg:$0xa] =	wrdreg s9  }
0xd: {  	s12 =	sadd.s32 s28, s11;
	[dreg:$0xb] =	wrdreg s10  }
0xe: {  	s14 =	sor.u32 $0x8000, s29;
	s13 =	sadd.s32 s2, s11;
	[dreg:$0xc] =	wrdreg s12  }
0xf: {  	s15 =	sadd.s32 s28, s14;
	[dreg:$0xd] =	wrdreg s13  }
0x10: {  	s6 =	sadd.s32 s28, s5;
	[dreg:$0xe] =	wrdreg s15  }
0x11: {  	[dreg:$0x8] =	wrdreg s6  }
0x12: {  	s4 =	sadd.s32 s2, s14;
	s6 =	rddreg [dreg:$0x4]  }
0x13: {  	s5 =	simm.s32 $0x2;
	[dreg:$0xf] =	wrdreg s4;
	s4 =	simm.s32 $0x10400  }
0x14: {  	[tilespmem:s4], [sflag:$0x2] =	stream.linear.gather [hbm4b:s6+s3], $0x80, $0x38;
	[tilespmem:$0x10480] =	vst v63  }
0x15: {  	_ =	swait.ge [sflag:s5], $0x80  }
0x16: {  	[sflag:s5] =	ssyncset.done $0x0  }
0x17: {  	s6 =	simm.s32 $0x10000;
	s16 =	rddreg [dreg:$0x5];
	[sflag:s5] =	ssyncadd.s32 $0xFFFFFF80  }
0x18: {  	[tilespmem:s6], [sflag:$0x2] =	stream.linear.gather [hbm4b:s16+s3], $0x400, $0x38;
	[tilespmem:$0x10480] =	vst v63  }
0x19: {  	_ =	swait.ge [sflag:s5], $0x400  }
0x1a: {  	[sflag:s5] =	ssyncset.done $0x0  }
0x1b: {  	s17 =	rddreg [dreg:$0x6];
	[sflag:s5] =	ssyncadd.s32 $0xFFFFFC00  }
0x1c: {  	[tilespmem:s3], [sflag:$0x2] =	stream.linear.gather [hbm4b:s17+s3], $0x10000, $0x38;
	[tilespmem:$0x10480] =	vst v63  }
0x1d: {  	_ =	swait.ge [sflag:s5], $0x10000  }
0x1e: {  	[sflag:s5] =	ssyncset.done $0x0  }
0x1f: {  	s18 =	rddreg [dreg:$0x7];
	[sflag:s5] =	ssyncadd.s32 $0xFFFF0000  }
0x20: {  	[hbm4b:s18+s3] =	stream.linear.scatter [tilespmem:s3], [sflag:$0x2], $0x10000, $0x38;
	[tilespmem:$0x10480] =	vst v63  }
0x21: {  	_ =	swait.ge [sflag:s5], $0x10000  }
0x22: {  	[sflag:s5] =	ssyncset.done $0x0  }
0x23: {  	s19 =	rddreg [dreg:$0x8];
	[sflag:s5] =	ssyncadd.s32 $0xFFFF0000  }
0x24: {  	[tilespmem:s3], [sflag:$0x2] =	stream.linear.gather [hbm4b:s19+s3], $0x10000, $0x38;
	[tilespmem:$0x10480] =	vst v63  }
0x25: {  	_ =	swait.ge [sflag:s5], $0x10000  }
0x26: {  	[sflag:s5] =	ssyncset.done $0x0  }
0x27: {  	s20 =	rddreg [dreg:$0x9];
	[sflag:s5] =	ssyncadd.s32 $0xFFFF0000  }
0x28: {  	[hbm4b:s20+s3] =	stream.linear.scatter [tilespmem:s3], [sflag:$0x2], $0x10000, $0x38;
	[tilespmem:$0x10480] =	vst v63  }
0x29: {  	_ =	swait.ge [sflag:s5], $0x10000  }
0x2a: {  	[sflag:s5] =	ssyncset.done $0x0  }
0x2b: {  	s21 =	rddreg [dreg:$0xa];
	[sflag:s5] =	ssyncadd.s32 $0xFFFF0000  }
0x2c: {  	[tilespmem:s3], [sflag:$0x2] =	stream.linear.gather [hbm4b:s21+s3], $0x10000, $0x38;
	[tilespmem:$0x10480] =	vst v63  }
0x2d: {  	_ =	swait.ge [sflag:s5], $0x10000  }
0x2e: {  	[sflag:s5] =	ssyncset.done $0x0  }
0x2f: {  	s22 =	rddreg [dreg:$0xb];
	[sflag:s5] =	ssyncadd.s32 $0xFFFF0000  }
0x30: {  	[hbm4b:s22+s3] =	stream.linear.scatter [tilespmem:s3], [sflag:$0x2], $0x10000, $0x38;
	[tilespmem:$0x10480] =	vst v63  }
0x31: {  	_ =	swait.ge [sflag:s5], $0x10000  }
0x32: {  	[sflag:s5] =	ssyncset.done $0x0  }
0x33: {  	s23 =	rddreg [dreg:$0xc];
	[sflag:s5] =	ssyncadd.s32 $0xFFFF0000  }
0x34: {  	[tilespmem:s3], [sflag:$0x2] =	stream.linear.gather [hbm4b:s23+s3], $0x10000, $0x38;
	[tilespmem:$0x10480] =	vst v63  }
0x35: {  	_ =	swait.ge [sflag:s5], $0x10000  }
0x36: {  	[sflag:s5] =	ssyncset.done $0x0  }
0x37: {  	s24 =	rddreg [dreg:$0xd];
	[sflag:s5] =	ssyncadd.s32 $0xFFFF0000  }
0x38: {  	[hbm4b:s24+s3] =	stream.linear.scatter [tilespmem:s3], [sflag:$0x2], $0x10000, $0x38;
	[tilespmem:$0x10480] =	vst v63  }
0x39: {  	_ =	swait.ge [sflag:s5], $0x10000  }
0x3a: {  	[sflag:s5] =	ssyncset.done $0x0  }
0x3b: {  	s25 =	rddreg [dreg:$0xe];
	[sflag:s5] =	ssyncadd.s32 $0xFFFF0000  }
0x3c: {  	[tilespmem:s3], [sflag:$0x2] =	stream.linear.gather [hbm4b:s25+s3], $0x10000, $0x38;
	[tilespmem:$0x10480] =	vst v63  }
0x3d: {  	_ =	swait.ge [sflag:s5], $0x10000  }
0x3e: {  	[sflag:s5] =	ssyncset.done $0x0  }
0x3f: {  	s26 =	rddreg [dreg:$0xf];
	[sflag:s5] =	ssyncadd.s32 $0xFFFF0000  }
0x40: {  	[hbm4b:s26+s3] =	stream.linear.scatter [tilespmem:s3], [sflag:$0x2], $0x10000, $0x38;
	[tilespmem:$0x10480] =	vst v63  }
0x41: {  	_ =	swait.ge [sflag:s5], $0x10000  }
0x42: {  	s8 =	sor.u32 $0xA000, s29;
	[sflag:s5] =	ssyncset.done $0x0  }
0x43: {  	s7 =	sadd.s32 s28, s8;
	[sflag:s5] =	ssyncadd.s32 $0xFFFF0000  }
0x44: {  	[tilespmem:s3], [sflag:$0x2] =	stream.linear.gather [hbm4b:s7+s3], $0x10000, $0x38;
	[tilespmem:$0x10480] =	vst v63  }
0x45: {  	_ =	swait.ge [sflag:s5], $0x10000  }
0x46: {  	[sflag:s5] =	ssyncset.done $0x0  }
0x47: {  	s8 =	sadd.s32 s2, s8;
	[sflag:s5] =	ssyncadd.s32 $0xFFFF0000  }
0x48: {  	[hbm4b:s8+s3] =	stream.linear.scatter [tilespmem:s3], [sflag:$0x2], $0x10000, $0x38;
	[tilespmem:$0x10480] =	vst v63  }
0x49: {  	_ =	swait.ge [sflag:s5], $0x10000  }
0x4a: {  	s10 =	sor.u32 $0xC000, s29;
	[sflag:s5] =	ssyncset.done $0x0  }
0x4b: {  	s9 =	sadd.s32 s28, s10;
	[sflag:s5] =	ssyncadd.s32 $0xFFFF0000  }
0x4c: {  	[tilespmem:s3], [sflag:$0x2] =	stream.linear.gather [hbm4b:s9+s3], $0x10000, $0x38;
	[tilespmem:$0x10480] =	vst v63  }
0x4d: {  	_ =	swait.ge [sflag:s5], $0x10000  }
0x4e: {  	[sflag:s5] =	ssyncset.done $0x0  }
0x4f: {  	s10 =	sadd.s32 s2, s10;
	[sflag:s5] =	ssyncadd.s32 $0xFFFF0000  }
0x50: {  	[hbm4b:s10+s3] =	stream.linear.scatter [tilespmem:s3], [sflag:$0x2], $0x10000, $0x38;
	[tilespmem:$0x10480] =	vst v63  }
0x51: {  	_ =	swait.ge [sflag:s5], $0x10000  }
0x52: {  	s12 =	sor.u32 $0xE000, s29;
	[sflag:s5] =	ssyncset.done $0x0  }
0x53: {  	s11 =	sadd.s32 s28, s12;
	[sflag:s5] =	ssyncadd.s32 $0xFFFF0000  }
0x54: {  	[tilespmem:s3], [sflag:$0x2] =	stream.linear.gather [hbm4b:s11+s3], $0x10000, $0x38;
	[tilespmem:$0x10480] =	vst v63  }
0x55: {  	_ =	swait.ge [sflag:s5], $0x10000  }
0x56: {  	[sflag:s5] =	ssyncset.done $0x0  }
0x57: {  	s12 =	sadd.s32 s2, s12;
	[sflag:s5] =	ssyncadd.s32 $0xFFFF0000  }
0x58: {  	[hbm4b:s12+s3] =	stream.linear.scatter [tilespmem:s3], [sflag:$0x2], $0x10000, $0x38;
	[tilespmem:$0x10480] =	vst v63  }
0x59: {  	_ =	swait.ge [sflag:s5], $0x10000  }
0x5a: {  	s14 =	sor.u32 $0x10000, s29;
	[sflag:s5] =	ssyncset.done $0x0  }
0x5b: {  	s13 =	sadd.s32 s28, s14;
	[sflag:s5] =	ssyncadd.s32 $0xFFFF0000  }
0x5c: {  	[tilespmem:s3], [sflag:$0x2] =	stream.linear.gather [hbm4b:s13+s3], $0x10000, $0x38;
	[tilespmem:$0x10480] =	vst v63  }
0x5d: {  	_ =	swait.ge [sflag:s5], $0x10000  }
0x5e: {  	[sflag:s5] =	ssyncset.done $0x0  }
0x5f: {  	s14 =	sadd.s32 s2, s14;
	[sflag:s5] =	ssyncadd.s32 $0xFFFF0000  }
0x60: {  	[hbm4b:s14+s3] =	stream.linear.scatter [tilespmem:s3], [sflag:$0x2], $0x10000, $0x38;
	[tilespmem:$0x10480] =	vst v63  }
0x61: {  	_ =	swait.ge [sflag:s5], $0x10000  }
0x62: {  	s16 =	sor.u32 $0x12000, s29;
	[sflag:s5] =	ssyncset.done $0x0  }
0x63: {  	s15 =	sadd.s32 s28, s16;
	[sflag:s5] =	ssyncadd.s32 $0xFFFF0000  }
0x64: {  	[tilespmem:s3], [sflag:$0x2] =	stream.linear.gather [hbm4b:s15+s3], $0x10000, $0x38;
	[tilespmem:$0x10480] =	vst v63  }
0x65: {  	_ =	swait.ge [sflag:s5], $0x10000  }
0x66: {  	[sflag:s5] =	ssyncset.done $0x0  }
0x67: {  	s16 =	sadd.s32 s2, s16;
	[sflag:s5] =	ssyncadd.s32 $0xFFFF0000  }
0x68: {  	[hbm4b:s16+s3] =	stream.linear.scatter [tilespmem:s3], [sflag:$0x2], $0x10000, $0x38;
	[tilespmem:$0x10480] =	vst v63  }
0x69: {  	_ =	swait.ge [sflag:s5], $0x10000  }
0x6a: {  	s18 =	sor.u32 $0x14000, s29;
	[sflag:s5] =	ssyncset.done $0x0  }
0x6b: {  	s17 =	sadd.s32 s28, s18;
	[sflag:s5] =	ssyncadd.s32 $0xFFFF0000  }
0x6c: {  	[tilespmem:s3], [sflag:$0x2] =	stream.linear.gather [hbm4b:s17+s3], $0x10000, $0x38;
	[tilespmem:$0x10480] =	vst v63  }
0x6d: {  	_ =	swait.ge [sflag:s5], $0x10000  }
0x6e: {  	[sflag:s5] =	ssyncset.done $0x0  }
0x6f: {  	s18 =	sadd.s32 s2, s18;
	[sflag:s5] =	ssyncadd.s32 $0xFFFF0000  }
0x70: {  	[hbm4b:s18+s3] =	stream.linear.scatter [tilespmem:s3], [sflag:$0x2], $0x10000, $0x38;
	[tilespmem:$0x10480] =	vst v63  }
0x71: {  	_ =	swait.ge [sflag:s5], $0x10000  }
0x72: {  	s20 =	sor.u32 $0x16000, s29;
	[sflag:s5] =	ssyncset.done $0x0  }
0x73: {  	s19 =	sadd.s32 s28, s20;
	[sflag:s5] =	ssyncadd.s32 $0xFFFF0000  }
0x74: {  	[tilespmem:s3], [sflag:$0x2] =	stream.linear.gather [hbm4b:s19+s3], $0x10000, $0x38;
	[tilespmem:$0x10480] =	vst v63  }
0x75: {  	_ =	swait.ge [sflag:s5], $0x10000  }
0x76: {  	[sflag:s5] =	ssyncset.done $0x0  }
0x77: {  	s20 =	sadd.s32 s2, s20;
	[sflag:s5] =	ssyncadd.s32 $0xFFFF0000  }
0x78: {  	[hbm4b:s20+s3] =	stream.linear.scatter [tilespmem:s3], [sflag:$0x2], $0x10000, $0x38;
	[tilespmem:$0x10480] =	vst v63  }
0x79: {  	_ =	swait.ge [sflag:s5], $0x10000  }
0x7a: {  	s22 =	sor.u32 $0x18000, s29;
	[sflag:s5] =	ssyncset.done $0x0  }
0x7b: {  	s21 =	sadd.s32 s28, s22;
	[sflag:s5] =	ssyncadd.s32 $0xFFFF0000  }
0x7c: {  	[tilespmem:s3], [sflag:$0x2] =	stream.linear.gather [hbm4b:s21+s3], $0x10000, $0x38;
	[tilespmem:$0x10480] =	vst v63  }
0x7d: {  	_ =	swait.ge [sflag:s5], $0x10000  }
0x7e: {  	[sflag:s5] =	ssyncset.done $0x0  }
0x7f: {  	s22 =	sadd.s32 s2, s22;
	[sflag:s5] =	ssyncadd.s32 $0xFFFF0000  }
0x80: {  	[hbm4b:s22+s3] =	stream.linear.scatter [tilespmem:s3], [sflag:$0x2], $0x10000, $0x38;
	[tilespmem:$0x10480] =	vst v63  }
0x81: {  	_ =	swait.ge [sflag:s5], $0x10000  }
0x82: {  	s24 =	sor.u32 $0x1A000, s29;
	[sflag:s5] =	ssyncset.done $0x0  }
0x83: {  	s23 =	sadd.s32 s28, s24;
	[sflag:s5] =	ssyncadd.s32 $0xFFFF0000  }
0x84: {  	[tilespmem:s3], [sflag:$0x2] =	stream.linear.gather [hbm4b:s23+s3], $0x10000, $0x38;
	[tilespmem:$0x10480] =	vst v63  }
0x85: {  	_ =	swait.ge [sflag:s5], $0x10000  }
0x86: {  	[sflag:s5] =	ssyncset.done $0x0  }
0x87: {  	s24 =	sadd.s32 s2, s24;
	[sflag:s5] =	ssyncadd.s32 $0xFFFF0000  }
0x88: {  	[hbm4b:s24+s3] =	stream.linear.scatter [tilespmem:s3], [sflag:$0x2], $0x10000, $0x38;
	[tilespmem:$0x10480] =	vst v63  }
0x89: {  	_ =	swait.ge [sflag:s5], $0x10000  }
0x8a: {  	s26 =	sor.u32 $0x1C000, s29;
	[sflag:s5] =	ssyncset.done $0x0  }
0x8b: {  	s25 =	sadd.s32 s28, s26;
	[sflag:s5] =	ssyncadd.s32 $0xFFFF0000  }
0x8c: {  	[tilespmem:s3], [sflag:$0x2] =	stream.linear.gather [hbm4b:s25+s3], $0x10000, $0x38;
	[tilespmem:$0x10480] =	vst v63  }
0x8d: {  	_ =	swait.ge [sflag:s5], $0x10000  }
0x8e: {  	[sflag:s5] =	ssyncset.done $0x0  }
0x8f: {  	s26 =	sadd.s32 s2, s26;
	[sflag:s5] =	ssyncadd.s32 $0xFFFF0000  }
0x90: {  	[hbm4b:s26+s3] =	stream.linear.scatter [tilespmem:s3], [sflag:$0x2], $0x10000, $0x38;
	[tilespmem:$0x10480] =	vst v63  }
0x91: {  	_ =	swait.ge [sflag:s5], $0x10000  }
0x92: {  	s29 =	sor.u32 $0x1E000, s29;
	[sflag:s5] =	ssyncset.done $0x0  }
0x93: {  	s28 =	sadd.s32 s28, s29;
	[sflag:s5] =	ssyncadd.s32 $0xFFFF0000  }
0x94: {  	[tilespmem:s3], [sflag:$0x2] =	stream.linear.gather [hbm4b:s28+s3], $0x10000, $0x38;
	[tilespmem:$0x10480] =	vst v63  }
0x95: {  	s1 =	ssub.s32 $0x2, s1;
	_ =	swait.ge [sflag:s5], $0x10000  }
0x96: {  	s30 =	sshrl.u32 s1, $0x1;
	[sflag:s5] =	ssyncset.done $0x0  }
0x97: {  	s1 =	ssub.s32 s1, s30;
	s29 =	sadd.s32 s2, s29;
	[sflag:s5] =	ssyncadd.s32 $0xFFFF0000  }
0x98: {  	[hbm4b:s29+s3] =	stream.linear.scatter [tilespmem:s3], [sflag:$0x2], $0x10000, $0x38;
	[tilespmem:$0x10480] =	vst v63  }
0x99: {  	s1 =	smax.u32 s1, $0x1;
	_ =	swait.ge [sflag:s5], $0x10000  }
0x9a: {  	p0 =	sne.s32 s1, $0x1;
	[sflag:s5] =	ssyncset.done $0x0  }
.Ltmp0:
0x9b: {  	s30 =	simm.s32 $0x8;
	[sflag:s5] =	ssyncadd.s32 $0xFFFF0000;
	(pc) =	sbr.rel @!p0 .LBB2_2-.Ltmp0, $4  }
0x9c: {  	[hbm4b:s2+s30] =	stream.indirect.scatter [tilespmem:s6], [sflag:$0x1], $0x80, s4, s30, $0xb8;
	[tilespmem:$0x10480] =	vst v63  }
0x9d: {  	s31 =	simm.s32 $0x1  }
0x9e: {  	[hbm4b:s2+s30] =	stream.indirect.scatter [tilespmem:s6], [sflag:$0x1], $0x80, s4, s30, $0xb8;
	[tilespmem:$0x10480] =	vst v63  }
0x9f: {  	s1 =	sadd.s32 $0xFFFFFFFF, s1;
	_ =	swait.ge [sflag:s31], $0x400  }
.LBB2_1:
0xa0: {  	[sflag:s31] =	ssyncset.done $0x0  }
0xa1: {  	s0 =	rddreg [dreg:$0x4];
	[sflag:s31] =	ssyncadd.s32 $0xFFFFFC00  }
0xa2: {  	[tilespmem:s4], [sflag:$0x2] =	stream.linear.gather [hbm4b:s0+s3], $0x80, $0x38;
	[tilespmem:$0x10480] =	vst v63  }
0xa3: {  	_ =	swait.ge [sflag:s5], $0x80  }
0xa4: {  	[sflag:s5] =	ssyncset.done $0x0  }
0xa5: {  	s0 =	rddreg [dreg:$0x5];
	[sflag:s5] =	ssyncadd.s32 $0xFFFFFF80  }
0xa6: {  	[tilespmem:s6], [sflag:$0x2] =	stream.linear.gather [hbm4b:s0+s3], $0x400, $0x38;
	[tilespmem:$0x10480] =	vst v63  }
0xa7: {  	_ =	swait.ge [sflag:s5], $0x400  }
0xa8: {  	[sflag:s5] =	ssyncset.done $0x0  }
0xa9: {  	s0 =	rddreg [dreg:$0x6];
	[sflag:s5] =	ssyncadd.s32 $0xFFFFFC00  }
0xaa: {  	[tilespmem:s3], [sflag:$0x2] =	stream.linear.gather [hbm4b:s0+s3], $0x10000, $0x38;
	[tilespmem:$0x10480] =	vst v63  }
0xab: {  	_ =	swait.ge [sflag:s5], $0x10000  }
0xac: {  	[sflag:s5] =	ssyncset.done $0x0  }
0xad: {  	s0 =	rddreg [dreg:$0x7];
	[sflag:s5] =	ssyncadd.s32 $0xFFFF0000  }
0xae: {  	[hbm4b:s0+s3] =	stream.linear.scatter [tilespmem:s3], [sflag:$0x2], $0x10000, $0x38;
	[tilespmem:$0x10480] =	vst v63  }
0xaf: {  	_ =	swait.ge [sflag:s5], $0x10000  }
0xb0: {  	[sflag:s5] =	ssyncset.done $0x0  }
0xb1: {  	s0 =	rddreg [dreg:$0x8];
	[sflag:s5] =	ssyncadd.s32 $0xFFFF0000  }
0xb2: {  	[tilespmem:s3], [sflag:$0x2] =	stream.linear.gather [hbm4b:s0+s3], $0x10000, $0x38;
	[tilespmem:$0x10480] =	vst v63  }
0xb3: {  	_ =	swait.ge [sflag:s5], $0x10000  }
0xb4: {  	[sflag:s5] =	ssyncset.done $0x0  }
0xb5: {  	s0 =	rddreg [dreg:$0x9];
	[sflag:s5] =	ssyncadd.s32 $0xFFFF0000  }
0xb6: {  	[hbm4b:s0+s3] =	stream.linear.scatter [tilespmem:s3], [sflag:$0x2], $0x10000, $0x38;
	[tilespmem:$0x10480] =	vst v63  }
0xb7: {  	_ =	swait.ge [sflag:s5], $0x10000  }
0xb8: {  	[sflag:s5] =	ssyncset.done $0x0  }
0xb9: {  	s0 =	rddreg [dreg:$0xa];
	[sflag:s5] =	ssyncadd.s32 $0xFFFF0000  }
0xba: {  	[tilespmem:s3], [sflag:$0x2] =	stream.linear.gather [hbm4b:s0+s3], $0x10000, $0x38;
	[tilespmem:$0x10480] =	vst v63  }
0xbb: {  	_ =	swait.ge [sflag:s5], $0x10000  }
0xbc: {  	[sflag:s5] =	ssyncset.done $0x0  }
0xbd: {  	s0 =	rddreg [dreg:$0xb];
	[sflag:s5] =	ssyncadd.s32 $0xFFFF0000  }
0xbe: {  	[hbm4b:s0+s3] =	stream.linear.scatter [tilespmem:s3], [sflag:$0x2], $0x10000, $0x38;
	[tilespmem:$0x10480] =	vst v63  }
0xbf: {  	_ =	swait.ge [sflag:s5], $0x10000  }
0xc0: {  	[sflag:s5] =	ssyncset.done $0x0  }
0xc1: {  	s0 =	rddreg [dreg:$0xc];
	[sflag:s5] =	ssyncadd.s32 $0xFFFF0000  }
0xc2: {  	[tilespmem:s3], [sflag:$0x2] =	stream.linear.gather [hbm4b:s0+s3], $0x10000, $0x38;
	[tilespmem:$0x10480] =	vst v63  }
0xc3: {  	_ =	swait.ge [sflag:s5], $0x10000  }
0xc4: {  	[sflag:s5] =	ssyncset.done $0x0  }
0xc5: {  	s0 =	rddreg [dreg:$0xd];
	[sflag:s5] =	ssyncadd.s32 $0xFFFF0000  }
0xc6: {  	[hbm4b:s0+s3] =	stream.linear.scatter [tilespmem:s3], [sflag:$0x2], $0x10000, $0x38;
	[tilespmem:$0x10480] =	vst v63  }
0xc7: {  	_ =	swait.ge [sflag:s5], $0x10000  }
0xc8: {  	[sflag:s5] =	ssyncset.done $0x0  }
0xc9: {  	s0 =	rddreg [dreg:$0xe];
	[sflag:s5] =	ssyncadd.s32 $0xFFFF0000  }
0xca: {  	[tilespmem:s3], [sflag:$0x2] =	stream.linear.gather [hbm4b:s0+s3], $0x10000, $0x38;
	[tilespmem:$0x10480] =	vst v63  }
0xcb: {  	_ =	swait.ge [sflag:s5], $0x10000  }
0xcc: {  	[sflag:s5] =	ssyncset.done $0x0  }
0xcd: {  	s0 =	rddreg [dreg:$0xf];
	[sflag:s5] =	ssyncadd.s32 $0xFFFF0000  }
0xce: {  	[hbm4b:s0+s3] =	stream.linear.scatter [tilespmem:s3], [sflag:$0x2], $0x10000, $0x38;
	[tilespmem:$0x10480] =	vst v63  }
0xcf: {  	_ =	swait.ge [sflag:s5], $0x10000  }
0xd0: {  	[sflag:s5] =	ssyncset.done $0x0  }
0xd1: {  	[sflag:s5] =	ssyncadd.s32 $0xFFFF0000  }
0xd2: {  	[tilespmem:s3], [sflag:$0x2] =	stream.linear.gather [hbm4b:s7+s3], $0x10000, $0x38;
	[tilespmem:$0x10480] =	vst v63  }
0xd3: {  	_ =	swait.ge [sflag:s5], $0x10000  }
0xd4: {  	[sflag:s5] =	ssyncset.done $0x0  }
0xd5: {  	[sflag:s5] =	ssyncadd.s32 $0xFFFF0000  }
0xd6: {  	[hbm4b:s8+s3] =	stream.linear.scatter [tilespmem:s3], [sflag:$0x2], $0x10000, $0x38;
	[tilespmem:$0x10480] =	vst v63  }
0xd7: {  	_ =	swait.ge [sflag:s5], $0x10000  }
0xd8: {  	[sflag:s5] =	ssyncset.done $0x0  }
0xd9: {  	[sflag:s5] =	ssyncadd.s32 $0xFFFF0000  }
0xda: {  	[tilespmem:s3], [sflag:$0x2] =	stream.linear.gather [hbm4b:s9+s3], $0x10000, $0x38;
	[tilespmem:$0x10480] =	vst v63  }
0xdb: {  	_ =	swait.ge [sflag:s5], $0x10000  }
0xdc: {  	[sflag:s5] =	ssyncset.done $0x0  }
0xdd: {  	[sflag:s5] =	ssyncadd.s32 $0xFFFF0000  }
0xde: {  	[hbm4b:s10+s3] =	stream.linear.scatter [tilespmem:s3], [sflag:$0x2], $0x10000, $0x38;
	[tilespmem:$0x10480] =	vst v63  }
0xdf: {  	_ =	swait.ge [sflag:s5], $0x10000  }
0xe0: {  	[sflag:s5] =	ssyncset.done $0x0  }
0xe1: {  	[sflag:s5] =	ssyncadd.s32 $0xFFFF0000  }
0xe2: {  	[tilespmem:s3], [sflag:$0x2] =	stream.linear.gather [hbm4b:s11+s3], $0x10000, $0x38;
	[tilespmem:$0x10480] =	vst v63  }
0xe3: {  	_ =	swait.ge [sflag:s5], $0x10000  }
0xe4: {  	[sflag:s5] =	ssyncset.done $0x0  }
0xe5: {  	[sflag:s5] =	ssyncadd.s32 $0xFFFF0000  }
0xe6: {  	[hbm4b:s12+s3] =	stream.linear.scatter [tilespmem:s3], [sflag:$0x2], $0x10000, $0x38;
	[tilespmem:$0x10480] =	vst v63  }
0xe7: {  	_ =	swait.ge [sflag:s5], $0x10000  }
0xe8: {  	[sflag:s5] =	ssyncset.done $0x0  }
0xe9: {  	[sflag:s5] =	ssyncadd.s32 $0xFFFF0000  }
0xea: {  	[tilespmem:s3], [sflag:$0x2] =	stream.linear.gather [hbm4b:s13+s3], $0x10000, $0x38;
	[tilespmem:$0x10480] =	vst v63  }
0xeb: {  	_ =	swait.ge [sflag:s5], $0x10000  }
0xec: {  	[sflag:s5] =	ssyncset.done $0x0  }
0xed: {  	[sflag:s5] =	ssyncadd.s32 $0xFFFF0000  }
0xee: {  	[hbm4b:s14+s3] =	stream.linear.scatter [tilespmem:s3], [sflag:$0x2], $0x10000, $0x38;
	[tilespmem:$0x10480] =	vst v63  }
0xef: {  	_ =	swait.ge [sflag:s5], $0x10000  }
0xf0: {  	[sflag:s5] =	ssyncset.done $0x0  }
0xf1: {  	[sflag:s5] =	ssyncadd.s32 $0xFFFF0000  }
0xf2: {  	[tilespmem:s3], [sflag:$0x2] =	stream.linear.gather [hbm4b:s15+s3], $0x10000, $0x38;
	[tilespmem:$0x10480] =	vst v63  }
0xf3: {  	_ =	swait.ge [sflag:s5], $0x10000  }
0xf4: {  	[sflag:s5] =	ssyncset.done $0x0  }
0xf5: {  	[sflag:s5] =	ssyncadd.s32 $0xFFFF0000  }
0xf6: {  	[hbm4b:s16+s3] =	stream.linear.scatter [tilespmem:s3], [sflag:$0x2], $0x10000, $0x38;
	[tilespmem:$0x10480] =	vst v63  }
0xf7: {  	_ =	swait.ge [sflag:s5], $0x10000  }
0xf8: {  	[sflag:s5] =	ssyncset.done $0x0  }
0xf9: {  	[sflag:s5] =	ssyncadd.s32 $0xFFFF0000  }
0xfa: {  	[tilespmem:s3], [sflag:$0x2] =	stream.linear.gather [hbm4b:s17+s3], $0x10000, $0x38;
	[tilespmem:$0x10480] =	vst v63  }
0xfb: {  	_ =	swait.ge [sflag:s5], $0x10000  }
0xfc: {  	[sflag:s5] =	ssyncset.done $0x0  }
0xfd: {  	[sflag:s5] =	ssyncadd.s32 $0xFFFF0000  }
0xfe: {  	[hbm4b:s18+s3] =	stream.linear.scatter [tilespmem:s3], [sflag:$0x2], $0x10000, $0x38;
	[tilespmem:$0x10480] =	vst v63  }
0xff: {  	_ =	swait.ge [sflag:s5], $0x10000  }
0x100: {  	[sflag:s5] =	ssyncset.done $0x0  }
0x101: {  	[sflag:s5] =	ssyncadd.s32 $0xFFFF0000  }
0x102: {  	[tilespmem:s3], [sflag:$0x2] =	stream.linear.gather [hbm4b:s19+s3], $0x10000, $0x38;
	[tilespmem:$0x10480] =	vst v63  }
0x103: {  	_ =	swait.ge [sflag:s5], $0x10000  }
0x104: {  	[sflag:s5] =	ssyncset.done $0x0  }
0x105: {  	[sflag:s5] =	ssyncadd.s32 $0xFFFF0000  }
0x106: {  	[hbm4b:s20+s3] =	stream.linear.scatter [tilespmem:s3], [sflag:$0x2], $0x10000, $0x38;
	[tilespmem:$0x10480] =	vst v63  }
0x107: {  	_ =	swait.ge [sflag:s5], $0x10000  }
0x108: {  	[sflag:s5] =	ssyncset.done $0x0  }
0x109: {  	[sflag:s5] =	ssyncadd.s32 $0xFFFF0000  }
0x10a: {  	[tilespmem:s3], [sflag:$0x2] =	stream.linear.gather [hbm4b:s21+s3], $0x10000, $0x38;
	[tilespmem:$0x10480] =	vst v63  }
0x10b: {  	_ =	swait.ge [sflag:s5], $0x10000  }
0x10c: {  	[sflag:s5] =	ssyncset.done $0x0  }
0x10d: {  	[sflag:s5] =	ssyncadd.s32 $0xFFFF0000  }
0x10e: {  	[hbm4b:s22+s3] =	stream.linear.scatter [tilespmem:s3], [sflag:$0x2], $0x10000, $0x38;
	[tilespmem:$0x10480] =	vst v63  }
0x10f: {  	_ =	swait.ge [sflag:s5], $0x10000  }
0x110: {  	[sflag:s5] =	ssyncset.done $0x0  }
0x111: {  	[sflag:s5] =	ssyncadd.s32 $0xFFFF0000  }
0x112: {  	[tilespmem:s3], [sflag:$0x2] =	stream.linear.gather [hbm4b:s23+s3], $0x10000, $0x38;
	[tilespmem:$0x10480] =	vst v63  }
0x113: {  	_ =	swait.ge [sflag:s5], $0x10000  }
0x114: {  	[sflag:s5] =	ssyncset.done $0x0  }
0x115: {  	[sflag:s5] =	ssyncadd.s32 $0xFFFF0000  }
0x116: {  	[hbm4b:s24+s3] =	stream.linear.scatter [tilespmem:s3], [sflag:$0x2], $0x10000, $0x38;
	[tilespmem:$0x10480] =	vst v63  }
0x117: {  	_ =	swait.ge [sflag:s5], $0x10000  }
0x118: {  	[sflag:s5] =	ssyncset.done $0x0  }
0x119: {  	[sflag:s5] =	ssyncadd.s32 $0xFFFF0000  }
0x11a: {  	[tilespmem:s3], [sflag:$0x2] =	stream.linear.gather [hbm4b:s25+s3], $0x10000, $0x38;
	[tilespmem:$0x10480] =	vst v63  }
0x11b: {  	_ =	swait.ge [sflag:s5], $0x10000  }
0x11c: {  	[sflag:s5] =	ssyncset.done $0x0  }
0x11d: {  	[sflag:s5] =	ssyncadd.s32 $0xFFFF0000  }
0x11e: {  	[hbm4b:s26+s3] =	stream.linear.scatter [tilespmem:s3], [sflag:$0x2], $0x10000, $0x38;
	[tilespmem:$0x10480] =	vst v63  }
0x11f: {  	_ =	swait.ge [sflag:s5], $0x10000  }
0x120: {  	[sflag:s5] =	ssyncset.done $0x0  }
0x121: {  	[sflag:s5] =	ssyncadd.s32 $0xFFFF0000  }
0x122: {  	[tilespmem:s3], [sflag:$0x2] =	stream.linear.gather [hbm4b:s28+s3], $0x10000, $0x38;
	[tilespmem:$0x10480] =	vst v63  }
0x123: {  	_ =	swait.ge [sflag:s5], $0x10000  }
0x124: {  	[sflag:s5] =	ssyncset.done $0x0  }
0x125: {  	[sflag:s5] =	ssyncadd.s32 $0xFFFF0000  }
0x126: {  	[hbm4b:s29+s3] =	stream.linear.scatter [tilespmem:s3], [sflag:$0x2], $0x10000, $0x38;
	[tilespmem:$0x10480] =	vst v63  }
0x127: {  	_ =	swait.ge [sflag:s5], $0x10000  }
0x128: {  	p0 =	sne.s32 s1, $0x1;
	[sflag:s5] =	ssyncset.done $0x0  }
.Ltmp1:
0x129: {  	[sflag:s5] =	ssyncadd.s32 $0xFFFF0000;
	(pc) =	sbr.rel @p0 .LBB2_1-.Ltmp1, $4  }
0x12a: {  	[hbm4b:s2+s30] =	stream.indirect.scatter [tilespmem:s6], [sflag:$0x1], $0x80, s4, s30, $0xb8;
	[tilespmem:$0x10480] =	vst v63  }
0x12b: {  	_ = 	snop  }
0x12c: {  	[hbm4b:s2+s30] =	stream.indirect.scatter [tilespmem:s6], [sflag:$0x1], $0x80, s4, s30, $0xb8;
	[tilespmem:$0x10480] =	vst v63  }
0x12d: {  	s1 =	sadd.s32 $0xFFFFFFFF, s1;
	_ =	swait.ge [sflag:s31], $0x400  }
.LBB2_2:
0x12e: {  	[sflag:s31] =	ssyncset.done $0x0  }
0x12f: {  	[sflag:s31] =	ssyncadd.s32 $0xFFFFFC00  }
0x130: {  	_ =	sfence.sel $0x180000  }
0x131: {  	[bflag:$0x0] =	sbarrier.arrive $0xFFFF  }
0x132: {  	_ =	strace $0x90000047  }
0x133: {  	s0 =	stileid.u32;
	[bflag:$0x2] =	sbarrier.arrive $0xFFFF  }
0x134: {  	p0 =	sne.s32 s0, $0x0;
	s0 =	rddreg [dreg:$0x3]  }
0x135: {  	s0 =	sadd.s32 @!p0 $0x100000, s0  }
0x136: {  	[sflag:s0] =	ssyncadd.tile.s32 @!p0 $0x1;
	_ =	shalt  }
.Lfunc_end2:
_tile_overlayer_lowered:
.L_overlay_start_2:
0x137: {  	(tag) =	ssettag $0x2  }
0x138: {  	s0 =	rddreg [dreg:$0x0];
	s2 =	stileid.u32  }
0x139: {  	s1 =	rddreg [dreg:$0x1];
	p0 =	sne.s32 s2, $0x0  }
0x13a: {  	s3 =	rddreg [dreg:$0x2];
	[bflag:$0x3] =	sbarrier.arrive $0xFFFF;
	s2 =	simm.s32 @!p0 $0x1C02  }
0x13b: {  	[timem:s3], [sflag:s2] =	dma.local @!p0 [hbm:s0], s1  }
0x13c: {  	s0 =	simm.s32 @!p0 $0x2  }
0x13d: {  	_ =	swait.ge @!p0 [sflag:s0], s1  }
0x13e: {  	s1 =	ssub.s32 @!p0 $0x0, s1;
	[sflag:s0] =	ssyncset.done @!p0 $0x0  }
0x13f: {  	[sflag:s0] =	ssyncadd.s32 @!p0 s1  }
0x140: {  	[bflag:$0x3] =	sbarrier.arrive $0xFFFF  }
0x141: {  	_ =	shalt  }

</sc_bundles>
